<compile_context>
chip_gen: v7x
topology: tpu7x:2x2x1
jax: 0.10.2.dev20260603
libtpu: 0.0.44.dev20260713+nightly
codegen_flags: <defaults>
</compile_context>

<pallas_src>
import functools

import jax
import jax.numpy as jnp
from jax import lax
from jax.experimental import pallas as pl
from jax.experimental.pallas import tpu as pltpu
from jax.experimental.pallas import tpu_sc as plsc

N = 10000
E = 320000
D = 128

NC = 2
NS = 16
NW = NC * NS
EPW = E // NW
CH = 104
NCHUNK = 97
EPP = NCHUNK * CH
CHC = 200
NCHUNKC = EPW // CHC
RPAD = 632
NPAD = NS * RPAD
CNTW = 8


@functools.lru_cache(maxsize=None)
def _sc_segsum_kernel():

  def body(y_hbm, src_hbm, dst_hbm, zrow_hbm, out_hbm,
           sidx_all, didx_all, rows0, rows1, acc_sh, gsem0, gsem1):
    c = lax.axis_index("c")
    s = lax.axis_index("s")
    wid = c * NS + s

    pltpu.sync_copy(zrow_hbm, acc_sh.at[pl.ds(s * RPAD, RPAD)])
    pltpu.sync_copy(src_hbm.at[wid], sidx_all)
    pltpu.sync_copy(dst_hbm.at[wid], didx_all)
    plsc.subcore_barrier()

    def issue(j, rbuf, sem):
      pltpu.async_copy(y_hbm.at[sidx_all.at[pl.ds(j * CH, CH)]], rbuf, sem)

    def drain_scatter(j, rbuf, sem):
      pltpu.make_async_copy(
          y_hbm.at[sidx_all.at[pl.ds(j * CH, CH)]], rbuf, sem).wait()
      pltpu.sync_copy(rbuf, acc_sh.at[didx_all.at[j]], add=True)

    issue(0, rows0, gsem0)

    def step(i, carry):
      issue(2 * i + 1, rows1, gsem1)
      drain_scatter(2 * i, rows0, gsem0)
      issue(2 * i + 2, rows0, gsem0)
      drain_scatter(2 * i + 1, rows1, gsem1)
      return carry

    lax.fori_loop(0, (NCHUNK - 1) // 2, step, 0)
    drain_scatter(NCHUNK - 1, rows0, gsem0)
    plsc.subcore_barrier()

    pltpu.sync_copy(acc_sh.at[pl.ds(s * RPAD, RPAD)],
                    out_hbm.at[c, pl.ds(s * RPAD, RPAD)])

  mesh = plsc.VectorSubcoreMesh(core_axis_name="c", subcore_axis_name="s")
  return pl.kernel(
      body,
      out_type=[jax.ShapeDtypeStruct((NC, NPAD, D), jnp.float32)],
      mesh=mesh,
      scratch_types=[
          pltpu.VMEM((EPP,), jnp.int32),
          pltpu.VMEM((NCHUNK, CH), jnp.int32),
          pltpu.VMEM((CH, D), jnp.float32),
          pltpu.VMEM((CH, D), jnp.float32),
          pltpu.VMEM_SHARED((NPAD, D), jnp.float32),
          pltpu.SemaphoreType.DMA,
          pltpu.SemaphoreType.DMA,
      ])


@functools.lru_cache(maxsize=None)
def _sc_count_kernel():

  def body(dst_hbm, zcnt_hbm, ones_hbm, cnt_out_hbm,
           didx_all, ones_v, cnt_sh):
    c = lax.axis_index("c")
    s = lax.axis_index("s")
    wid = c * NS + s

    pltpu.sync_copy(zcnt_hbm, cnt_sh.at[pl.ds(s * RPAD, RPAD)])
    pltpu.sync_copy(ones_hbm, ones_v)
    pltpu.sync_copy(dst_hbm.at[wid], didx_all)
    plsc.subcore_barrier()

    def step(j, carry):
      pltpu.sync_copy(ones_v, cnt_sh.at[didx_all.at[j]], add=True)
      return carry

    lax.fori_loop(0, NCHUNKC, step, 0)
    plsc.subcore_barrier()

    pltpu.sync_copy(cnt_sh.at[pl.ds(s * RPAD, RPAD)],
                    cnt_out_hbm.at[c, pl.ds(s * RPAD, RPAD)])

  mesh = plsc.VectorSubcoreMesh(core_axis_name="c", subcore_axis_name="s")
  return pl.kernel(
      body,
      out_type=[jax.ShapeDtypeStruct((NC, NPAD, CNTW), jnp.float32)],
      mesh=mesh,
      scratch_types=[
          pltpu.VMEM((NCHUNKC, CHC), jnp.int32),
          pltpu.VMEM((CHC, CNTW), jnp.float32),
          pltpu.VMEM_SHARED((NPAD, CNTW), jnp.float32),
      ],
      compiler_params=pltpu.CompilerParams(use_tc_tiling_on_sc=False))



_RB = 2000
_GRID = N // _RB


def _tc_pre_body(x_ref, wl_ref, wr_ref, b_ref, y_ref, r_ref):
  x = x_ref[...]
  y_ref[...] = jnp.dot(x, wl_ref[...], preferred_element_type=jnp.float32)
  r_ref[...] = (jnp.dot(x, wr_ref[...], preferred_element_type=jnp.float32)
                + b_ref[...])


def _tc_mid_body(z_ref, c_ref, r_ref, wl_ref, wr_ref,
                 b_ref, y_ref, r2_ref):
  cnt = c_ref[0, :, 0:1] + c_ref[1, :, 0:1]
  mean = (z_ref[0] + z_ref[1]) / jnp.maximum(cnt, 1.0)
  h = jnp.maximum(mean + r_ref[...], 0.0)
  y_ref[...] = jnp.dot(h, wl_ref[...], preferred_element_type=jnp.float32)
  r2_ref[...] = (jnp.dot(h, wr_ref[...], preferred_element_type=jnp.float32)
                 + b_ref[...])


def _tc_post_body(z_ref, c_ref, r_ref, o_ref):
  cnt = c_ref[0, :, 0:1] + c_ref[1, :, 0:1]
  o_ref[...] = (z_ref[0] + z_ref[1]) / jnp.maximum(cnt, 1.0) + r_ref[...]


def _row_spec(width):
  return pl.BlockSpec((_RB, width), lambda i: (i, 0))


def _pad_spec(width):
  return pl.BlockSpec((NC, _RB, width), lambda i: (0, i, 0))


def _full_spec(rows, cols):
  return pl.BlockSpec((rows, cols), lambda i: (0, 0))


_dense_shape = jax.ShapeDtypeStruct((N, D), jnp.float32)

_tc_pre = pl.pallas_call(
    _tc_pre_body,
    grid=(_GRID,),
    in_specs=[_row_spec(D), _full_spec(D, D), _full_spec(D, D),
              _full_spec(1, D)],
    out_specs=[_row_spec(D), _row_spec(D)],
    out_shape=[_dense_shape, _dense_shape],
)

_tc_mid = pl.pallas_call(
    _tc_mid_body,
    grid=(_GRID,),
    in_specs=[_pad_spec(D), _pad_spec(CNTW),
              _row_spec(D), _full_spec(D, D), _full_spec(D, D),
              _full_spec(1, D)],
    out_specs=[_row_spec(D), _row_spec(D)],
    out_shape=[_dense_shape, _dense_shape],
)

_tc_post = pl.pallas_call(
    _tc_post_body,
    grid=(_GRID,),
    in_specs=[_pad_spec(D), _pad_spec(CNTW), _row_spec(D)],
    out_specs=_row_spec(D),
    out_shape=_dense_shape,
)


@jax.jit
def kernel(x, edge_index, W1l, W1r, b1, W2l, W2r, b2):
  npadw = EPP - EPW
  wids = jnp.arange(NW, dtype=jnp.int32)[:, None]
  ks = jnp.arange(npadw, dtype=jnp.int32)[None, :]
  pad_src = (wids * 97 + ks * 131) % N
  pad_dst = N + (wids * 13 + ks) % (NPAD - N)
  src = jnp.concatenate([edge_index[0].reshape(NW, EPW), pad_src], axis=1)
  dst = jnp.concatenate([edge_index[1].reshape(NW, EPW), pad_dst],
                        axis=1).reshape(NW, NCHUNK, CH)
  dstc = edge_index[1].reshape(NW, NCHUNKC, CHC)
  b1r = b1.reshape(1, D)
  b2r = b2.reshape(1, D)
  zrow = jnp.zeros((RPAD, D), jnp.float32)
  zcnt = jnp.zeros((RPAD, CNTW), jnp.float32)
  ones = jnp.ones((CHC, CNTW), jnp.float32)

  (cnt,) = _sc_count_kernel()(dstc, zcnt, ones)
  y1, r1 = _tc_pre(x, W1l, W1r, b1r)
  (z1,) = _sc_segsum_kernel()(y1, src, dst, zrow)
  y2, r2 = _tc_mid(z1, cnt, r1, W2l, W2r, b2r)
  (z2,) = _sc_segsum_kernel()(y2, src, dst, zrow)
  out = _tc_post(z2, cnt, r2)
  return out

# --- scband reference (transcript-rebuilt; emitter-appended) ---
"""Pipeline reference for scband-two-layer-base-75780402970857 (READ-ONLY COPY).

The authoritative reference and input builder live on the scoring server;
editing this copy changes nothing except your own understanding.
"""

import jax, jax.numpy as jnp
import numpy as np

N = 10000
E = 320000
D = 128


def setup_inputs(seed: int = 0) -> dict:
    key = jax.random.key(seed)
    ks = jax.random.split(key, 9)
    x = jax.random.normal(ks[0], (N, D), dtype=jnp.float32)
    edge_index = jax.random.randint(ks[1], (2, E), 0, N, dtype=jnp.int32)
    s = 1.0 / np.sqrt(D)
    W1l = jax.random.uniform(ks[2], (D, D), jnp.float32, -s, s)
    W1r = jax.random.uniform(ks[3], (D, D), jnp.float32, -s, s)
    b1 = jax.random.uniform(ks[4], (D,), jnp.float32, -s, s)
    W2l = jax.random.uniform(ks[5], (D, D), jnp.float32, -s, s)
    W2r = jax.random.uniform(ks[6], (D, D), jnp.float32, -s, s)
    b2 = jax.random.uniform(ks[7], (D,), jnp.float32, -s, s)
    return {"x": x, "edge_index": edge_index, "W1l": W1l, "W1r": W1r, "b1": b1, "W2l": W2l, "W2r": W2r, "b2": b2}


def _sage_conv(h, src, dst, Wl, Wr, b):
    # PyG SAGEConv: out = lin_l(mean_{j in N(i)} x_j) + lin_r(x_i)
    msgs = jnp.take(h, src, axis=0)                      # gather at source nodes
    agg = jax.ops.segment_sum(msgs, dst, num_segments=N) # scatter-add to dst
    cnt = jax.ops.segment_sum(jnp.ones((src.shape[0],), h.dtype), dst, num_segments=N)
    mean = agg / jnp.clip(cnt, 1.0)[:, None]
    return mean @ Wl + h @ Wr + b


def reference(x, edge_index, W1l, W1r, b1, W2l, W2r, b2):
    src = edge_index[0]
    dst = edge_index[1]
    h = jax.nn.relu(_sage_conv(x, src, dst, W1l, W1r, b1))
    out = _sage_conv(h, src, dst, W2l, W2r, b2)
    return out

if __name__ == "__main__":
    import jax
    _d = setup_inputs()
    print(jax.jit(kernel)(*tuple(_d.values())))

</pallas_src>

<mosaic_0001>
#map = affine_map<(d0, d1) -> (0, 0, 0)>
#map1 = affine_map<(d0, d1) -> (0, 0)>
module attributes {stable_mosaic.version = 14 : i64} {
  func.func @body(%arg0: i32, %arg1: i32, %arg2: memref<32x50x200xi32, #tpu.memory_space<hbm>>, %arg3: memref<632x8xf32, #tpu.memory_space<hbm>>, %arg4: memref<200x8xf32, #tpu.memory_space<hbm>>, %arg5: memref<2x10112x8xf32, #tpu.memory_space<hbm>>, %arg6: memref<50x200xi32, #tpu.memory_space<vmem>>, %arg7: memref<200x8xf32, #tpu.memory_space<vmem>>, %arg8: memref<10112x8xf32, #tpu.memory_space<vmem_shared>>) attributes {dimension_semantics = [#tpu.dimension_semantics<core_parallel>, #tpu.dimension_semantics<subcore_parallel>], iteration_bounds = array<i64: 2, 16>, scalar_prefetch = 0 : i64, scratch_operands = 3 : i64, tpu.core_type = #tpu.core_type<sc_vector_subcore>, window_params = [{transform_indices = #map}, {transform_indices = #map1}, {transform_indices = #map1}, {transform_indices = #map}]} {
    %mul3A = arith.constant 16 : i32
    %mul3A_0 = arith.muli %arg0, %mul3A : i32
    %add3A = arith.addi %mul3A_0, %arg1 : i32
    %mul3A_1 = arith.constant 632 : i32
    %mul3A_2 = arith.muli %arg1, %mul3A_1 : i32
    "tpu.region"() ({
      %run_scoped3A = tpu.sem_alloc : memref<!tpu.dma_semaphore, #tpu.memory_space<semaphore_mem>>
      %dma_start3A = arith.constant 0 : i32
      %dma_start3A_13 = tpu.memref_slice %arg8[%mul3A_2, %dma_start3A] : memref<10112x8xf32, #tpu.memory_space<vmem_shared>> -> memref<632x8xf32, #tpu.memory_space<vmem_shared>>
      tpu.enqueue_dma source(%arg3 : memref<632x8xf32, #tpu.memory_space<hbm>>) target(%dma_start3A_13 : memref<632x8xf32, #tpu.memory_space<vmem_shared>>) target_semaphore(%run_scoped3A : memref<!tpu.dma_semaphore, #tpu.memory_space<semaphore_mem>>)
      %dma_wait3A = arith.constant 0 : i32
      %dma_wait3A_14 = tpu.memref_slice %arg8[%mul3A_2, %dma_wait3A] : memref<10112x8xf32, #tpu.memory_space<vmem_shared>> -> memref<632x8xf32, #tpu.memory_space<vmem_shared>>
      tpu.wait_dma2 semaphore(%run_scoped3A : memref<!tpu.dma_semaphore, #tpu.memory_space<semaphore_mem>>) src(%arg3 : memref<632x8xf32, #tpu.memory_space<hbm>>) dst(%dma_wait3A_14 : memref<632x8xf32, #tpu.memory_space<vmem_shared>>)
      tpu.yield
    }) : () -> ()
    "tpu.region"() ({
      %run_scoped3A = tpu.sem_alloc : memref<!tpu.dma_semaphore, #tpu.memory_space<semaphore_mem>>
      tpu.enqueue_dma source(%arg4 : memref<200x8xf32, #tpu.memory_space<hbm>>) target(%arg7 : memref<200x8xf32, #tpu.memory_space<vmem>>) target_semaphore(%run_scoped3A : memref<!tpu.dma_semaphore, #tpu.memory_space<semaphore_mem>>)
      tpu.wait_dma2 semaphore(%run_scoped3A : memref<!tpu.dma_semaphore, #tpu.memory_space<semaphore_mem>>) src(%arg4 : memref<200x8xf32, #tpu.memory_space<hbm>>) dst(%arg7 : memref<200x8xf32, #tpu.memory_space<vmem>>)
      tpu.yield
    }) : () -> ()
    "tpu.region"() ({
      %run_scoped3A = tpu.sem_alloc : memref<!tpu.dma_semaphore, #tpu.memory_space<semaphore_mem>>
      %dma_start3A = arith.constant 0 : i32
      %dma_start3A_13 = arith.constant 0 : i32
      %dma_start3A_14 = tpu.memref_slice %arg2[%add3A, %dma_start3A, %dma_start3A_13] : memref<32x50x200xi32, #tpu.memory_space<hbm>> -> memref<1x50x200xi32, #tpu.memory_space<hbm>>
      %dma_start3A_15 = tpu.memref_squeeze %dma_start3A_14 : memref<1x50x200xi32, #tpu.memory_space<hbm>> -> memref<50x200xi32, #tpu.memory_space<hbm>>
      %dma_start3A_16 = arith.constant 0 : i32
      %dma_start3A_17 = arith.constant 0 : i32
      %dma_start3A_18 = tpu.memref_slice %arg2[%add3A, %dma_start3A_16, %dma_start3A_17] : memref<32x50x200xi32, #tpu.memory_space<hbm>> -> memref<1x50x200xi32, #tpu.memory_space<hbm>>
      %dma_start3A_19 = tpu.memref_squeeze %dma_start3A_18 : memref<1x50x200xi32, #tpu.memory_space<hbm>> -> memref<50x200xi32, #tpu.memory_space<hbm>>
      tpu.enqueue_dma source(%dma_start3A_19 : memref<50x200xi32, #tpu.memory_space<hbm>>) target(%arg6 : memref<50x200xi32, #tpu.memory_space<vmem>>) target_semaphore(%run_scoped3A : memref<!tpu.dma_semaphore, #tpu.memory_space<semaphore_mem>>)
      %dma_wait3A = arith.constant 0 : i32
      %dma_wait3A_20 = arith.constant 0 : i32
      %dma_wait3A_21 = tpu.memref_slice %arg2[%add3A, %dma_wait3A, %dma_wait3A_20] : memref<32x50x200xi32, #tpu.memory_space<hbm>> -> memref<1x50x200xi32, #tpu.memory_space<hbm>>
      %dma_wait3A_22 = tpu.memref_squeeze %dma_wait3A_21 : memref<1x50x200xi32, #tpu.memory_space<hbm>> -> memref<50x200xi32, #tpu.memory_space<hbm>>
      %dma_wait3A_23 = arith.constant 0 : i32
      %dma_wait3A_24 = arith.constant 0 : i32
      %dma_wait3A_25 = tpu.memref_slice %arg2[%add3A, %dma_wait3A_23, %dma_wait3A_24] : memref<32x50x200xi32, #tpu.memory_space<hbm>> -> memref<1x50x200xi32, #tpu.memory_space<hbm>>
      %dma_wait3A_26 = tpu.memref_squeeze %dma_wait3A_25 : memref<1x50x200xi32, #tpu.memory_space<hbm>> -> memref<50x200xi32, #tpu.memory_space<hbm>>
      tpu.wait_dma2 semaphore(%run_scoped3A : memref<!tpu.dma_semaphore, #tpu.memory_space<semaphore_mem>>) src(%dma_wait3A_26 : memref<50x200xi32, #tpu.memory_space<hbm>>) dst(%arg6 : memref<50x200xi32, #tpu.memory_space<vmem>>)
      tpu.yield
    }) : () -> ()
    %barrier3A = arith.constant 0 : index
    tpu.barrier barrier_id(%barrier3A)
    %scan3A = arith.constant 0 : i32
    %scan3A_3 = arith.constant 0 : i32
    %scan3A_4 = arith.constant 50 : i32
    %scan3A_5 = arith.addi %scan3A_3, %scan3A_4 : i32
    %scan3A_6 = arith.constant 1 : i32
    scf.for %scan3A_13 = %scan3A_3 to %scan3A_5 step %scan3A_6  : i32 {
      "tpu.region"() ({
        %run_scoped3A = tpu.sem_alloc : memref<!tpu.dma_semaphore, #tpu.memory_space<semaphore_mem>>
        %dma_start3A = arith.constant 0 : i32
        %dma_start3A_14 = tpu.memref_slice %arg6[%scan3A_13, %dma_start3A] : memref<50x200xi32, #tpu.memory_space<vmem>> -> memref<1x200xi32, #tpu.memory_space<vmem>>
        %dma_start3A_15 = tpu.memref_squeeze %dma_start3A_14 : memref<1x200xi32, #tpu.memory_space<vmem>> -> memref<200xi32, #tpu.memory_space<vmem>>
        %dma_start3A_16 = arith.constant 0 : i32
        %dma_start3A_17 = arith.constant 0 : i32
        %dma_start3A_18 = tpu.memref_slice %arg8[%dma_start3A_16, %dma_start3A_17] : memref<10112x8xf32, #tpu.memory_space<vmem_shared>> -> memref<10112x8xf32, #tpu.memory_space<vmem_shared>>
        tpu.enqueue_indirect_dma source(%arg7 : memref<200x8xf32, #tpu.memory_space<vmem>>) target(%dma_start3A_18 : memref<10112x8xf32, #tpu.memory_space<vmem_shared>>) offsets(%dma_start3A_15 : memref<200xi32, #tpu.memory_space<vmem>>) semaphore(%run_scoped3A : memref<!tpu.dma_semaphore, #tpu.memory_space<semaphore_mem>>) {add = true}
        %dma_wait3A = arith.constant 0 : i32
        %dma_wait3A_19 = tpu.memref_slice %arg6[%scan3A_13, %dma_wait3A] : memref<50x200xi32, #tpu.memory_space<vmem>> -> memref<1x200xi32, #tpu.memory_space<vmem>>
        %dma_wait3A_20 = tpu.memref_squeeze %dma_wait3A_19 : memref<1x200xi32, #tpu.memory_space<vmem>> -> memref<200xi32, #tpu.memory_space<vmem>>
        %dma_wait3A_21 = arith.constant 0 : i32
        %dma_wait3A_22 = arith.constant 0 : i32
        %dma_wait3A_23 = tpu.memref_slice %arg8[%dma_wait3A_21, %dma_wait3A_22] : memref<10112x8xf32, #tpu.memory_space<vmem_shared>> -> memref<10112x8xf32, #tpu.memory_space<vmem_shared>>
        tpu.wait_indirect_dma semaphore(%run_scoped3A : memref<!tpu.dma_semaphore, #tpu.memory_space<semaphore_mem>>) src(%arg7 : memref<200x8xf32, #tpu.memory_space<vmem>>) dst(%dma_wait3A_23 : memref<10112x8xf32, #tpu.memory_space<vmem_shared>>)
        tpu.yield
      }) : () -> ()
    }
    %scan3A_7 = arith.constant 50 : i32
    %barrier3A_8 = arith.constant 0 : index
    tpu.barrier barrier_id(%barrier3A_8)
    %mul3A_9 = arith.constant 632 : i32
    %mul3A_10 = arith.muli %arg1, %mul3A_9 : i32
    %mul3A_11 = arith.constant 632 : i32
    %mul3A_12 = arith.muli %arg1, %mul3A_11 : i32
    "tpu.region"() ({
      %run_scoped3A = tpu.sem_alloc : memref<!tpu.dma_semaphore, #tpu.memory_space<semaphore_mem>>
      %dma_start3A = arith.constant 0 : i32
      %dma_start3A_13 = tpu.memref_slice %arg5[%arg0, %mul3A_12, %dma_start3A] : memref<2x10112x8xf32, #tpu.memory_space<hbm>> -> memref<1x632x8xf32, #tpu.memory_space<hbm>>
      %dma_start3A_14 = tpu.memref_squeeze %dma_start3A_13 : memref<1x632x8xf32, #tpu.memory_space<hbm>> -> memref<632x8xf32, #tpu.memory_space<hbm>>
      %dma_start3A_15 = arith.constant 0 : i32
      %dma_start3A_16 = tpu.memref_slice %arg8[%mul3A_10, %dma_start3A_15] : memref<10112x8xf32, #tpu.memory_space<vmem_shared>> -> memref<632x8xf32, #tpu.memory_space<vmem_shared>>
      tpu.enqueue_dma source(%dma_start3A_16 : memref<632x8xf32, #tpu.memory_space<vmem_shared>>) target(%dma_start3A_14 : memref<632x8xf32, #tpu.memory_space<hbm>>) target_semaphore(%run_scoped3A : memref<!tpu.dma_semaphore, #tpu.memory_space<semaphore_mem>>)
      %dma_wait3A = arith.constant 0 : i32
      %dma_wait3A_17 = tpu.memref_slice %arg5[%arg0, %mul3A_12, %dma_wait3A] : memref<2x10112x8xf32, #tpu.memory_space<hbm>> -> memref<1x632x8xf32, #tpu.memory_space<hbm>>
      %dma_wait3A_18 = tpu.memref_squeeze %dma_wait3A_17 : memref<1x632x8xf32, #tpu.memory_space<hbm>> -> memref<632x8xf32, #tpu.memory_space<hbm>>
      %dma_wait3A_19 = arith.constant 0 : i32
      %dma_wait3A_20 = tpu.memref_slice %arg8[%mul3A_10, %dma_wait3A_19] : memref<10112x8xf32, #tpu.memory_space<vmem_shared>> -> memref<632x8xf32, #tpu.memory_space<vmem_shared>>
      tpu.wait_dma2 semaphore(%run_scoped3A : memref<!tpu.dma_semaphore, #tpu.memory_space<semaphore_mem>>) src(%dma_wait3A_20 : memref<632x8xf32, #tpu.memory_space<vmem_shared>>) dst(%dma_wait3A_18 : memref<632x8xf32, #tpu.memory_space<hbm>>)
      tpu.yield
    }) : () -> ()
    return
  }
}

#map = affine_map<(d0, d1) -> (0, 0)>
#map1 = affine_map<(d0, d1) -> (0, 0, 0)>
module attributes {stable_mosaic.version = 14 : i64} {
  func.func @body(%arg0: i32, %arg1: i32, %arg2: memref<10000x128xf32, #tpu.memory_space<hbm>>, %arg3: memref<32x10088xi32, #tpu.memory_space<hbm>>, %arg4: memref<32x97x104xi32, #tpu.memory_space<hbm>>, %arg5: memref<632x128xf32, #tpu.memory_space<hbm>>, %arg6: memref<2x10112x128xf32, #tpu.memory_space<hbm>>, %arg7: memref<10088xi32, #tpu.memory_space<vmem>>, %arg8: memref<97x104xi32, #tpu.memory_space<vmem>>, %arg9: memref<104x128xf32, #tpu.memory_space<vmem>>, %arg10: memref<104x128xf32, #tpu.memory_space<vmem>>, %arg11: memref<10112x128xf32, #tpu.memory_space<vmem_shared>>, %arg12: memref<!tpu.dma_semaphore, #tpu.memory_space<semaphore_mem>>, %arg13: memref<!tpu.dma_semaphore, #tpu.memory_space<semaphore_mem>>) attributes {dimension_semantics = [#tpu.dimension_semantics<core_parallel>, #tpu.dimension_semantics<subcore_parallel>], iteration_bounds = array<i64: 2, 16>, scalar_prefetch = 0 : i64, scratch_operands = 7 : i64, tpu.core_type = #tpu.core_type<sc_vector_subcore>, window_params = [{transform_indices = #map}, {transform_indices = #map}, {transform_indices = #map1}, {transform_indices = #map}, {transform_indices = #map1}]} {
    %mul3A = arith.constant 16 : i32
    %mul3A_0 = arith.muli %arg0, %mul3A : i32
    %add3A = arith.addi %mul3A_0, %arg1 : i32
    %mul3A_1 = arith.constant 632 : i32
    %mul3A_2 = arith.muli %arg1, %mul3A_1 : i32
    "tpu.region"() ({
      %run_scoped3A_21 = tpu.sem_alloc : memref<!tpu.dma_semaphore, #tpu.memory_space<semaphore_mem>>
      %dma_start3A_22 = arith.constant 0 : i32
      %dma_start3A_23 = tpu.memref_slice %arg11[%mul3A_2, %dma_start3A_22] : memref<10112x128xf32, #tpu.memory_space<vmem_shared>> -> memref<632x128xf32, #tpu.memory_space<vmem_shared>>
      tpu.enqueue_dma source(%arg5 : memref<632x128xf32, #tpu.memory_space<hbm>>) target(%dma_start3A_23 : memref<632x128xf32, #tpu.memory_space<vmem_shared>>) target_semaphore(%run_scoped3A_21 : memref<!tpu.dma_semaphore, #tpu.memory_space<semaphore_mem>>)
      %dma_wait3A_24 = arith.constant 0 : i32
      %dma_wait3A_25 = tpu.memref_slice %arg11[%mul3A_2, %dma_wait3A_24] : memref<10112x128xf32, #tpu.memory_space<vmem_shared>> -> memref<632x128xf32, #tpu.memory_space<vmem_shared>>
      tpu.wait_dma2 semaphore(%run_scoped3A_21 : memref<!tpu.dma_semaphore, #tpu.memory_space<semaphore_mem>>) src(%arg5 : memref<632x128xf32, #tpu.memory_space<hbm>>) dst(%dma_wait3A_25 : memref<632x128xf32, #tpu.memory_space<vmem_shared>>)
      tpu.yield
    }) : () -> ()
    "tpu.region"() ({
      %run_scoped3A_21 = tpu.sem_alloc : memref<!tpu.dma_semaphore, #tpu.memory_space<semaphore_mem>>
      %dma_start3A_22 = arith.constant 0 : i32
      %dma_start3A_23 = tpu.memref_slice %arg3[%add3A, %dma_start3A_22] : memref<32x10088xi32, #tpu.memory_space<hbm>> -> memref<1x10088xi32, #tpu.memory_space<hbm>>
      %dma_start3A_24 = tpu.memref_squeeze %dma_start3A_23 : memref<1x10088xi32, #tpu.memory_space<hbm>> -> memref<10088xi32, #tpu.memory_space<hbm>>
      %dma_start3A_25 = arith.constant 0 : i32
      %dma_start3A_26 = tpu.memref_slice %arg3[%add3A, %dma_start3A_25] : memref<32x10088xi32, #tpu.memory_space<hbm>> -> memref<1x10088xi32, #tpu.memory_space<hbm>>
      %dma_start3A_27 = tpu.memref_squeeze %dma_start3A_26 : memref<1x10088xi32, #tpu.memory_space<hbm>> -> memref<10088xi32, #tpu.memory_space<hbm>>
      tpu.enqueue_dma source(%dma_start3A_27 : memref<10088xi32, #tpu.memory_space<hbm>>) target(%arg7 : memref<10088xi32, #tpu.memory_space<vmem>>) target_semaphore(%run_scoped3A_21 : memref<!tpu.dma_semaphore, #tpu.memory_space<semaphore_mem>>)
      %dma_wait3A_28 = arith.constant 0 : i32
      %dma_wait3A_29 = tpu.memref_slice %arg3[%add3A, %dma_wait3A_28] : memref<32x10088xi32, #tpu.memory_space<hbm>> -> memref<1x10088xi32, #tpu.memory_space<hbm>>
      %dma_wait3A_30 = tpu.memref_squeeze %dma_wait3A_29 : memref<1x10088xi32, #tpu.memory_space<hbm>> -> memref<10088xi32, #tpu.memory_space<hbm>>
      %dma_wait3A_31 = arith.constant 0 : i32
      %dma_wait3A_32 = tpu.memref_slice %arg3[%add3A, %dma_wait3A_31] : memref<32x10088xi32, #tpu.memory_space<hbm>> -> memref<1x10088xi32, #tpu.memory_space<hbm>>
      %dma_wait3A_33 = tpu.memref_squeeze %dma_wait3A_32 : memref<1x10088xi32, #tpu.memory_space<hbm>> -> memref<10088xi32, #tpu.memory_space<hbm>>
      tpu.wait_dma2 semaphore(%run_scoped3A_21 : memref<!tpu.dma_semaphore, #tpu.memory_space<semaphore_mem>>) src(%dma_wait3A_33 : memref<10088xi32, #tpu.memory_space<hbm>>) dst(%arg7 : memref<10088xi32, #tpu.memory_space<vmem>>)
      tpu.yield
    }) : () -> ()
    "tpu.region"() ({
      %run_scoped3A_21 = tpu.sem_alloc : memref<!tpu.dma_semaphore, #tpu.memory_space<semaphore_mem>>
      %dma_start3A_22 = arith.constant 0 : i32
      %dma_start3A_23 = arith.constant 0 : i32
      %dma_start3A_24 = tpu.memref_slice %arg4[%add3A, %dma_start3A_22, %dma_start3A_23] : memref<32x97x104xi32, #tpu.memory_space<hbm>> -> memref<1x97x104xi32, #tpu.memory_space<hbm>>
      %dma_start3A_25 = tpu.memref_squeeze %dma_start3A_24 : memref<1x97x104xi32, #tpu.memory_space<hbm>> -> memref<97x104xi32, #tpu.memory_space<hbm>>
      %dma_start3A_26 = arith.constant 0 : i32
      %dma_start3A_27 = arith.constant 0 : i32
      %dma_start3A_28 = tpu.memref_slice %arg4[%add3A, %dma_start3A_26, %dma_start3A_27] : memref<32x97x104xi32, #tpu.memory_space<hbm>> -> memref<1x97x104xi32, #tpu.memory_space<hbm>>
      %dma_start3A_29 = tpu.memref_squeeze %dma_start3A_28 : memref<1x97x104xi32, #tpu.memory_space<hbm>> -> memref<97x104xi32, #tpu.memory_space<hbm>>
      tpu.enqueue_dma source(%dma_start3A_29 : memref<97x104xi32, #tpu.memory_space<hbm>>) target(%arg8 : memref<97x104xi32, #tpu.memory_space<vmem>>) target_semaphore(%run_scoped3A_21 : memref<!tpu.dma_semaphore, #tpu.memory_space<semaphore_mem>>)
      %dma_wait3A_30 = arith.constant 0 : i32
      %dma_wait3A_31 = arith.constant 0 : i32
      %dma_wait3A_32 = tpu.memref_slice %arg4[%add3A, %dma_wait3A_30, %dma_wait3A_31] : memref<32x97x104xi32, #tpu.memory_space<hbm>> -> memref<1x97x104xi32, #tpu.memory_space<hbm>>
      %dma_wait3A_33 = tpu.memref_squeeze %dma_wait3A_32 : memref<1x97x104xi32, #tpu.memory_space<hbm>> -> memref<97x104xi32, #tpu.memory_space<hbm>>
      %dma_wait3A_34 = arith.constant 0 : i32
      %dma_wait3A_35 = arith.constant 0 : i32
      %dma_wait3A_36 = tpu.memref_slice %arg4[%add3A, %dma_wait3A_34, %dma_wait3A_35] : memref<32x97x104xi32, #tpu.memory_space<hbm>> -> memref<1x97x104xi32, #tpu.memory_space<hbm>>
      %dma_wait3A_37 = tpu.memref_squeeze %dma_wait3A_36 : memref<1x97x104xi32, #tpu.memory_space<hbm>> -> memref<97x104xi32, #tpu.memory_space<hbm>>
      tpu.wait_dma2 semaphore(%run_scoped3A_21 : memref<!tpu.dma_semaphore, #tpu.memory_space<semaphore_mem>>) src(%dma_wait3A_37 : memref<97x104xi32, #tpu.memory_space<hbm>>) dst(%arg8 : memref<97x104xi32, #tpu.memory_space<vmem>>)
      tpu.yield
    }) : () -> ()
    %barrier3A = arith.constant 0 : index
    tpu.barrier barrier_id(%barrier3A)
    %dma_start3A = arith.constant 0 : i32
    %dma_start3A_3 = tpu.memref_slice %arg7[%dma_start3A] : memref<10088xi32, #tpu.memory_space<vmem>> -> memref<104xi32, #tpu.memory_space<vmem>>
    %dma_start3A_4 = arith.constant 0 : i32
    %dma_start3A_5 = arith.constant 0 : i32
    %dma_start3A_6 = tpu.memref_slice %arg2[%dma_start3A_4, %dma_start3A_5] : memref<10000x128xf32, #tpu.memory_space<hbm>> -> memref<10000x128xf32, #tpu.memory_space<hbm>>
    tpu.enqueue_indirect_dma source(%dma_start3A_6 : memref<10000x128xf32, #tpu.memory_space<hbm>>) target(%arg9 : memref<104x128xf32, #tpu.memory_space<vmem>>) offsets(%dma_start3A_3 : memref<104xi32, #tpu.memory_space<vmem>>) semaphore(%arg12 : memref<!tpu.dma_semaphore, #tpu.memory_space<semaphore_mem>>)
    %scan3A = arith.constant 0 : i32
    %scan3A_7 = arith.constant 0 : i32
    %scan3A_8 = arith.constant 48 : i32
    %scan3A_9 = arith.addi %scan3A_7, %scan3A_8 : i32
    %scan3A_10 = arith.constant 1 : i32
    scf.for %scan3A_21 = %scan3A_7 to %scan3A_9 step %scan3A_10  : i32 {
      %mul3A_22 = arith.constant 2 : i32
      %mul3A_23 = arith.muli %mul3A_22, %scan3A_21 : i32
      %add3A_24 = arith.constant 1 : i32
      %add3A_25 = arith.addi %mul3A_23, %add3A_24 : i32
      %mul3A_26 = arith.constant 104 : i32
      %mul3A_27 = arith.muli %add3A_25, %mul3A_26 : i32
      %dma_start3A_28 = tpu.memref_slice %arg7[%mul3A_27] : memref<10088xi32, #tpu.memory_space<vmem>> -> memref<104xi32, #tpu.memory_space<vmem>>
      %dma_start3A_29 = arith.constant 0 : i32
      %dma_start3A_30 = arith.constant 0 : i32
      %dma_start3A_31 = tpu.memref_slice %arg2[%dma_start3A_29, %dma_start3A_30] : memref<10000x128xf32, #tpu.memory_space<hbm>> -> memref<10000x128xf32, #tpu.memory_space<hbm>>
      tpu.enqueue_indirect_dma source(%dma_start3A_31 : memref<10000x128xf32, #tpu.memory_space<hbm>>) target(%arg10 : memref<104x128xf32, #tpu.memory_space<vmem>>) offsets(%dma_start3A_28 : memref<104xi32, #tpu.memory_space<vmem>>) semaphore(%arg13 : memref<!tpu.dma_semaphore, #tpu.memory_space<semaphore_mem>>)
      %mul3A_32 = arith.constant 2 : i32
      %mul3A_33 = arith.muli %mul3A_32, %scan3A_21 : i32
      %mul3A_34 = arith.constant 104 : i32
      %mul3A_35 = arith.muli %mul3A_33, %mul3A_34 : i32
      %dma_wait3A_36 = tpu.memref_slice %arg7[%mul3A_35] : memref<10088xi32, #tpu.memory_space<vmem>> -> memref<104xi32, #tpu.memory_space<vmem>>
      %dma_wait3A_37 = arith.constant 0 : i32
      %dma_wait3A_38 = arith.constant 0 : i32
      %dma_wait3A_39 = tpu.memref_slice %arg2[%dma_wait3A_37, %dma_wait3A_38] : memref<10000x128xf32, #tpu.memory_space<hbm>> -> memref<10000x128xf32, #tpu.memory_space<hbm>>
      tpu.wait_indirect_dma semaphore(%arg12 : memref<!tpu.dma_semaphore, #tpu.memory_space<semaphore_mem>>) src(%dma_wait3A_39 : memref<10000x128xf32, #tpu.memory_space<hbm>>) dst(%arg9 : memref<104x128xf32, #tpu.memory_space<vmem>>)
      "tpu.region"() ({
        %run_scoped3A_60 = tpu.sem_alloc : memref<!tpu.dma_semaphore, #tpu.memory_space<semaphore_mem>>
        %dma_start3A_61 = arith.constant 0 : i32
        %dma_start3A_62 = tpu.memref_slice %arg8[%mul3A_33, %dma_start3A_61] : memref<97x104xi32, #tpu.memory_space<vmem>> -> memref<1x104xi32, #tpu.memory_space<vmem>>
        %dma_start3A_63 = tpu.memref_squeeze %dma_start3A_62 : memref<1x104xi32, #tpu.memory_space<vmem>> -> memref<104xi32, #tpu.memory_space<vmem>>
        %dma_start3A_64 = arith.constant 0 : i32
        %dma_start3A_65 = arith.constant 0 : i32
        %dma_start3A_66 = tpu.memref_slice %arg11[%dma_start3A_64, %dma_start3A_65] : memref<10112x128xf32, #tpu.memory_space<vmem_shared>> -> memref<10112x128xf32, #tpu.memory_space<vmem_shared>>
        tpu.enqueue_indirect_dma source(%arg9 : memref<104x128xf32, #tpu.memory_space<vmem>>) target(%dma_start3A_66 : memref<10112x128xf32, #tpu.memory_space<vmem_shared>>) offsets(%dma_start3A_63 : memref<104xi32, #tpu.memory_space<vmem>>) semaphore(%run_scoped3A_60 : memref<!tpu.dma_semaphore, #tpu.memory_space<semaphore_mem>>) {add = true}
        %dma_wait3A_67 = arith.constant 0 : i32
        %dma_wait3A_68 = tpu.memref_slice %arg8[%mul3A_33, %dma_wait3A_67] : memref<97x104xi32, #tpu.memory_space<vmem>> -> memref<1x104xi32, #tpu.memory_space<vmem>>
        %dma_wait3A_69 = tpu.memref_squeeze %dma_wait3A_68 : memref<1x104xi32, #tpu.memory_space<vmem>> -> memref<104xi32, #tpu.memory_space<vmem>>
        %dma_wait3A_70 = arith.constant 0 : i32
        %dma_wait3A_71 = arith.constant 0 : i32
        %dma_wait3A_72 = tpu.memref_slice %arg11[%dma_wait3A_70, %dma_wait3A_71] : memref<10112x128xf32, #tpu.memory_space<vmem_shared>> -> memref<10112x128xf32, #tpu.memory_space<vmem_shared>>
        tpu.wait_indirect_dma semaphore(%run_scoped3A_60 : memref<!tpu.dma_semaphore, #tpu.memory_space<semaphore_mem>>) src(%arg9 : memref<104x128xf32, #tpu.memory_space<vmem>>) dst(%dma_wait3A_72 : memref<10112x128xf32, #tpu.memory_space<vmem_shared>>)
        tpu.yield
      }) : () -> ()
      %mul3A_40 = arith.constant 2 : i32
      %mul3A_41 = arith.muli %mul3A_40, %scan3A_21 : i32
      %add3A_42 = arith.constant 2 : i32
      %add3A_43 = arith.addi %mul3A_41, %add3A_42 : i32
      %mul3A_44 = arith.constant 104 : i32
      %mul3A_45 = arith.muli %add3A_43, %mul3A_44 : i32
      %dma_start3A_46 = tpu.memref_slice %arg7[%mul3A_45] : memref<10088xi32, #tpu.memory_space<vmem>> -> memref<104xi32, #tpu.memory_space<vmem>>
      %dma_start3A_47 = arith.constant 0 : i32
      %dma_start3A_48 = arith.constant 0 : i32
      %dma_start3A_49 = tpu.memref_slice %arg2[%dma_start3A_47, %dma_start3A_48] : memref<10000x128xf32, #tpu.memory_space<hbm>> -> memref<10000x128xf32, #tpu.memory_space<hbm>>
      tpu.enqueue_indirect_dma source(%dma_start3A_49 : memref<10000x128xf32, #tpu.memory_space<hbm>>) target(%arg9 : memref<104x128xf32, #tpu.memory_space<vmem>>) offsets(%dma_start3A_46 : memref<104xi32, #tpu.memory_space<vmem>>) semaphore(%arg12 : memref<!tpu.dma_semaphore, #tpu.memory_space<semaphore_mem>>)
      %mul3A_50 = arith.constant 2 : i32
      %mul3A_51 = arith.muli %mul3A_50, %scan3A_21 : i32
      %add3A_52 = arith.constant 1 : i32
      %add3A_53 = arith.addi %mul3A_51, %add3A_52 : i32
      %mul3A_54 = arith.constant 104 : i32
      %mul3A_55 = arith.muli %add3A_53, %mul3A_54 : i32
      %dma_wait3A_56 = tpu.memref_slice %arg7[%mul3A_55] : memref<10088xi32, #tpu.memory_space<vmem>> -> memref<104xi32, #tpu.memory_space<vmem>>
      %dma_wait3A_57 = arith.constant 0 : i32
      %dma_wait3A_58 = arith.constant 0 : i32
      %dma_wait3A_59 = tpu.memref_slice %arg2[%dma_wait3A_57, %dma_wait3A_58] : memref<10000x128xf32, #tpu.memory_space<hbm>> -> memref<10000x128xf32, #tpu.memory_space<hbm>>
      tpu.wait_indirect_dma semaphore(%arg13 : memref<!tpu.dma_semaphore, #tpu.memory_space<semaphore_mem>>) src(%dma_wait3A_59 : memref<10000x128xf32, #tpu.memory_space<hbm>>) dst(%arg10 : memref<104x128xf32, #tpu.memory_space<vmem>>)
      "tpu.region"() ({
        %run_scoped3A_60 = tpu.sem_alloc : memref<!tpu.dma_semaphore, #tpu.memory_space<semaphore_mem>>
        %dma_start3A_61 = arith.constant 0 : i32
        %dma_start3A_62 = tpu.memref_slice %arg8[%add3A_53, %dma_start3A_61] : memref<97x104xi32, #tpu.memory_space<vmem>> -> memref<1x104xi32, #tpu.memory_space<vmem>>
        %dma_start3A_63 = tpu.memref_squeeze %dma_start3A_62 : memref<1x104xi32, #tpu.memory_space<vmem>> -> memref<104xi32, #tpu.memory_space<vmem>>
        %dma_start3A_64 = arith.constant 0 : i32
        %dma_start3A_65 = arith.constant 0 : i32
        %dma_start3A_66 = tpu.memref_slice %arg11[%dma_start3A_64, %dma_start3A_65] : memref<10112x128xf32, #tpu.memory_space<vmem_shared>> -> memref<10112x128xf32, #tpu.memory_space<vmem_shared>>
        tpu.enqueue_indirect_dma source(%arg10 : memref<104x128xf32, #tpu.memory_space<vmem>>) target(%dma_start3A_66 : memref<10112x128xf32, #tpu.memory_space<vmem_shared>>) offsets(%dma_start3A_63 : memref<104xi32, #tpu.memory_space<vmem>>) semaphore(%run_scoped3A_60 : memref<!tpu.dma_semaphore, #tpu.memory_space<semaphore_mem>>) {add = true}
        %dma_wait3A_67 = arith.constant 0 : i32
        %dma_wait3A_68 = tpu.memref_slice %arg8[%add3A_53, %dma_wait3A_67] : memref<97x104xi32, #tpu.memory_space<vmem>> -> memref<1x104xi32, #tpu.memory_space<vmem>>
        %dma_wait3A_69 = tpu.memref_squeeze %dma_wait3A_68 : memref<1x104xi32, #tpu.memory_space<vmem>> -> memref<104xi32, #tpu.memory_space<vmem>>
        %dma_wait3A_70 = arith.constant 0 : i32
        %dma_wait3A_71 = arith.constant 0 : i32
        %dma_wait3A_72 = tpu.memref_slice %arg11[%dma_wait3A_70, %dma_wait3A_71] : memref<10112x128xf32, #tpu.memory_space<vmem_shared>> -> memref<10112x128xf32, #tpu.memory_space<vmem_shared>>
        tpu.wait_indirect_dma semaphore(%run_scoped3A_60 : memref<!tpu.dma_semaphore, #tpu.memory_space<semaphore_mem>>) src(%arg10 : memref<104x128xf32, #tpu.memory_space<vmem>>) dst(%dma_wait3A_72 : memref<10112x128xf32, #tpu.memory_space<vmem_shared>>)
        tpu.yield
      }) : () -> ()
    }
    %scan3A_11 = arith.constant 48 : i32
    %dma_wait3A = arith.constant 9984 : i32
    %dma_wait3A_12 = tpu.memref_slice %arg7[%dma_wait3A] : memref<10088xi32, #tpu.memory_space<vmem>> -> memref<104xi32, #tpu.memory_space<vmem>>
    %dma_wait3A_13 = arith.constant 0 : i32
    %dma_wait3A_14 = arith.constant 0 : i32
    %dma_wait3A_15 = tpu.memref_slice %arg2[%dma_wait3A_13, %dma_wait3A_14] : memref<10000x128xf32, #tpu.memory_space<hbm>> -> memref<10000x128xf32, #tpu.memory_space<hbm>>
    tpu.wait_indirect_dma semaphore(%arg12 : memref<!tpu.dma_semaphore, #tpu.memory_space<semaphore_mem>>) src(%dma_wait3A_15 : memref<10000x128xf32, #tpu.memory_space<hbm>>) dst(%arg9 : memref<104x128xf32, #tpu.memory_space<vmem>>)
    %run_scoped3A = arith.constant 96 : i32
    "tpu.region"() ({
      %run_scoped3A_21 = tpu.sem_alloc : memref<!tpu.dma_semaphore, #tpu.memory_space<semaphore_mem>>
      %dma_start3A_22 = arith.constant 0 : i32
      %dma_start3A_23 = tpu.memref_slice %arg8[%run_scoped3A, %dma_start3A_22] : memref<97x104xi32, #tpu.memory_space<vmem>> -> memref<1x104xi32, #tpu.memory_space<vmem>>
      %dma_start3A_24 = tpu.memref_squeeze %dma_start3A_23 : memref<1x104xi32, #tpu.memory_space<vmem>> -> memref<104xi32, #tpu.memory_space<vmem>>
      %dma_start3A_25 = arith.constant 0 : i32
      %dma_start3A_26 = arith.constant 0 : i32
      %dma_start3A_27 = tpu.memref_slice %arg11[%dma_start3A_25, %dma_start3A_26] : memref<10112x128xf32, #tpu.memory_space<vmem_shared>> -> memref<10112x128xf32, #tpu.memory_space<vmem_shared>>
      tpu.enqueue_indirect_dma source(%arg9 : memref<104x128xf32, #tpu.memory_space<vmem>>) target(%dma_start3A_27 : memref<10112x128xf32, #tpu.memory_space<vmem_shared>>) offsets(%dma_start3A_24 : memref<104xi32, #tpu.memory_space<vmem>>) semaphore(%run_scoped3A_21 : memref<!tpu.dma_semaphore, #tpu.memory_space<semaphore_mem>>) {add = true}
      %dma_wait3A_28 = arith.constant 0 : i32
      %dma_wait3A_29 = tpu.memref_slice %arg8[%run_scoped3A, %dma_wait3A_28] : memref<97x104xi32, #tpu.memory_space<vmem>> -> memref<1x104xi32, #tpu.memory_space<vmem>>
      %dma_wait3A_30 = tpu.memref_squeeze %dma_wait3A_29 : memref<1x104xi32, #tpu.memory_space<vmem>> -> memref<104xi32, #tpu.memory_space<vmem>>
      %dma_wait3A_31 = arith.constant 0 : i32
      %dma_wait3A_32 = arith.constant 0 : i32
      %dma_wait3A_33 = tpu.memref_slice %arg11[%dma_wait3A_31, %dma_wait3A_32] : memref<10112x128xf32, #tpu.memory_space<vmem_shared>> -> memref<10112x128xf32, #tpu.memory_space<vmem_shared>>
      tpu.wait_indirect_dma semaphore(%run_scoped3A_21 : memref<!tpu.dma_semaphore, #tpu.memory_space<semaphore_mem>>) src(%arg9 : memref<104x128xf32, #tpu.memory_space<vmem>>) dst(%dma_wait3A_33 : memref<10112x128xf32, #tpu.memory_space<vmem_shared>>)
      tpu.yield
    }) : () -> ()
    %barrier3A_16 = arith.constant 0 : index
    tpu.barrier barrier_id(%barrier3A_16)
    %mul3A_17 = arith.constant 632 : i32
    %mul3A_18 = arith.muli %arg1, %mul3A_17 : i32
    %mul3A_19 = arith.constant 632 : i32
    %mul3A_20 = arith.muli %arg1, %mul3A_19 : i32
    "tpu.region"() ({
      %run_scoped3A_21 = tpu.sem_alloc : memref<!tpu.dma_semaphore, #tpu.memory_space<semaphore_mem>>
      %dma_start3A_22 = arith.constant 0 : i32
      %dma_start3A_23 = tpu.memref_slice %arg6[%arg0, %mul3A_20, %dma_start3A_22] : memref<2x10112x128xf32, #tpu.memory_space<hbm>> -> memref<1x632x128xf32, #tpu.memory_space<hbm>>
      %dma_start3A_24 = tpu.memref_squeeze %dma_start3A_23 : memref<1x632x128xf32, #tpu.memory_space<hbm>> -> memref<632x128xf32, #tpu.memory_space<hbm>>
      %dma_start3A_25 = arith.constant 0 : i32
      %dma_start3A_26 = tpu.memref_slice %arg11[%mul3A_18, %dma_start3A_25] : memref<10112x128xf32, #tpu.memory_space<vmem_shared>> -> memref<632x128xf32, #tpu.memory_space<vmem_shared>>
      tpu.enqueue_dma source(%dma_start3A_26 : memref<632x128xf32, #tpu.memory_space<vmem_shared>>) target(%dma_start3A_24 : memref<632x128xf32, #tpu.memory_space<hbm>>) target_semaphore(%run_scoped3A_21 : memref<!tpu.dma_semaphore, #tpu.memory_space<semaphore_mem>>)
      %dma_wait3A_27 = arith.constant 0 : i32
      %dma_wait3A_28 = tpu.memref_slice %arg6[%arg0, %mul3A_20, %dma_wait3A_27] : memref<2x10112x128xf32, #tpu.memory_space<hbm>> -> memref<1x632x128xf32, #tpu.memory_space<hbm>>
      %dma_wait3A_29 = tpu.memref_squeeze %dma_wait3A_28 : memref<1x632x128xf32, #tpu.memory_space<hbm>> -> memref<632x128xf32, #tpu.memory_space<hbm>>
      %dma_wait3A_30 = arith.constant 0 : i32
      %dma_wait3A_31 = tpu.memref_slice %arg11[%mul3A_18, %dma_wait3A_30] : memref<10112x128xf32, #tpu.memory_space<vmem_shared>> -> memref<632x128xf32, #tpu.memory_space<vmem_shared>>
      tpu.wait_dma2 semaphore(%run_scoped3A_21 : memref<!tpu.dma_semaphore, #tpu.memory_space<semaphore_mem>>) src(%dma_wait3A_31 : memref<632x128xf32, #tpu.memory_space<vmem_shared>>) dst(%dma_wait3A_29 : memref<632x128xf32, #tpu.memory_space<hbm>>)
      tpu.yield
    }) : () -> ()
    return
  }
}

#map = affine_map<(d0, d1) -> (0, 0)>
#map1 = affine_map<(d0, d1) -> (0, 0, 0)>
module attributes {stable_mosaic.version = 14 : i64} {
  func.func @body(%arg0: i32, %arg1: i32, %arg2: memref<10000x128xf32, #tpu.memory_space<hbm>>, %arg3: memref<32x10088xi32, #tpu.memory_space<hbm>>, %arg4: memref<32x97x104xi32, #tpu.memory_space<hbm>>, %arg5: memref<632x128xf32, #tpu.memory_space<hbm>>, %arg6: memref<2x10112x128xf32, #tpu.memory_space<hbm>>, %arg7: memref<10088xi32, #tpu.memory_space<vmem>>, %arg8: memref<97x104xi32, #tpu.memory_space<vmem>>, %arg9: memref<104x128xf32, #tpu.memory_space<vmem>>, %arg10: memref<104x128xf32, #tpu.memory_space<vmem>>, %arg11: memref<10112x128xf32, #tpu.memory_space<vmem_shared>>, %arg12: memref<!tpu.dma_semaphore, #tpu.memory_space<semaphore_mem>>, %arg13: memref<!tpu.dma_semaphore, #tpu.memory_space<semaphore_mem>>) attributes {dimension_semantics = [#tpu.dimension_semantics<core_parallel>, #tpu.dimension_semantics<subcore_parallel>], iteration_bounds = array<i64: 2, 16>, scalar_prefetch = 0 : i64, scratch_operands = 7 : i64, tpu.core_type = #tpu.core_type<sc_vector_subcore>, window_params = [{transform_indices = #map}, {transform_indices = #map}, {transform_indices = #map1}, {transform_indices = #map}, {transform_indices = #map1}]} {
    %mul3A = arith.constant 16 : i32
    %mul3A_0 = arith.muli %arg0, %mul3A : i32
    %add3A = arith.addi %mul3A_0, %arg1 : i32
    %mul3A_1 = arith.constant 632 : i32
    %mul3A_2 = arith.muli %arg1, %mul3A_1 : i32
    "tpu.region"() ({
      %run_scoped3A_21 = tpu.sem_alloc : memref<!tpu.dma_semaphore, #tpu.memory_space<semaphore_mem>>
      %dma_start3A_22 = arith.constant 0 : i32
      %dma_start3A_23 = tpu.memref_slice %arg11[%mul3A_2, %dma_start3A_22] : memref<10112x128xf32, #tpu.memory_space<vmem_shared>> -> memref<632x128xf32, #tpu.memory_space<vmem_shared>>
      tpu.enqueue_dma source(%arg5 : memref<632x128xf32, #tpu.memory_space<hbm>>) target(%dma_start3A_23 : memref<632x128xf32, #tpu.memory_space<vmem_shared>>) target_semaphore(%run_scoped3A_21 : memref<!tpu.dma_semaphore, #tpu.memory_space<semaphore_mem>>)
      %dma_wait3A_24 = arith.constant 0 : i32
      %dma_wait3A_25 = tpu.memref_slice %arg11[%mul3A_2, %dma_wait3A_24] : memref<10112x128xf32, #tpu.memory_space<vmem_shared>> -> memref<632x128xf32, #tpu.memory_space<vmem_shared>>
      tpu.wait_dma2 semaphore(%run_scoped3A_21 : memref<!tpu.dma_semaphore, #tpu.memory_space<semaphore_mem>>) src(%arg5 : memref<632x128xf32, #tpu.memory_space<hbm>>) dst(%dma_wait3A_25 : memref<632x128xf32, #tpu.memory_space<vmem_shared>>)
      tpu.yield
    }) : () -> ()
    "tpu.region"() ({
      %run_scoped3A_21 = tpu.sem_alloc : memref<!tpu.dma_semaphore, #tpu.memory_space<semaphore_mem>>
      %dma_start3A_22 = arith.constant 0 : i32
      %dma_start3A_23 = tpu.memref_slice %arg3[%add3A, %dma_start3A_22] : memref<32x10088xi32, #tpu.memory_space<hbm>> -> memref<1x10088xi32, #tpu.memory_space<hbm>>
      %dma_start3A_24 = tpu.memref_squeeze %dma_start3A_23 : memref<1x10088xi32, #tpu.memory_space<hbm>> -> memref<10088xi32, #tpu.memory_space<hbm>>
      %dma_start3A_25 = arith.constant 0 : i32
      %dma_start3A_26 = tpu.memref_slice %arg3[%add3A, %dma_start3A_25] : memref<32x10088xi32, #tpu.memory_space<hbm>> -> memref<1x10088xi32, #tpu.memory_space<hbm>>
      %dma_start3A_27 = tpu.memref_squeeze %dma_start3A_26 : memref<1x10088xi32, #tpu.memory_space<hbm>> -> memref<10088xi32, #tpu.memory_space<hbm>>
      tpu.enqueue_dma source(%dma_start3A_27 : memref<10088xi32, #tpu.memory_space<hbm>>) target(%arg7 : memref<10088xi32, #tpu.memory_space<vmem>>) target_semaphore(%run_scoped3A_21 : memref<!tpu.dma_semaphore, #tpu.memory_space<semaphore_mem>>)
      %dma_wait3A_28 = arith.constant 0 : i32
      %dma_wait3A_29 = tpu.memref_slice %arg3[%add3A, %dma_wait3A_28] : memref<32x10088xi32, #tpu.memory_space<hbm>> -> memref<1x10088xi32, #tpu.memory_space<hbm>>
      %dma_wait3A_30 = tpu.memref_squeeze %dma_wait3A_29 : memref<1x10088xi32, #tpu.memory_space<hbm>> -> memref<10088xi32, #tpu.memory_space<hbm>>
      %dma_wait3A_31 = arith.constant 0 : i32
      %dma_wait3A_32 = tpu.memref_slice %arg3[%add3A, %dma_wait3A_31] : memref<32x10088xi32, #tpu.memory_space<hbm>> -> memref<1x10088xi32, #tpu.memory_space<hbm>>
      %dma_wait3A_33 = tpu.memref_squeeze %dma_wait3A_32 : memref<1x10088xi32, #tpu.memory_space<hbm>> -> memref<10088xi32, #tpu.memory_space<hbm>>
      tpu.wait_dma2 semaphore(%run_scoped3A_21 : memref<!tpu.dma_semaphore, #tpu.memory_space<semaphore_mem>>) src(%dma_wait3A_33 : memref<10088xi32, #tpu.memory_space<hbm>>) dst(%arg7 : memref<10088xi32, #tpu.memory_space<vmem>>)
      tpu.yield
    }) : () -> ()
    "tpu.region"() ({
      %run_scoped3A_21 = tpu.sem_alloc : memref<!tpu.dma_semaphore, #tpu.memory_space<semaphore_mem>>
      %dma_start3A_22 = arith.constant 0 : i32
      %dma_start3A_23 = arith.constant 0 : i32
      %dma_start3A_24 = tpu.memref_slice %arg4[%add3A, %dma_start3A_22, %dma_start3A_23] : memref<32x97x104xi32, #tpu.memory_space<hbm>> -> memref<1x97x104xi32, #tpu.memory_space<hbm>>
      %dma_start3A_25 = tpu.memref_squeeze %dma_start3A_24 : memref<1x97x104xi32, #tpu.memory_space<hbm>> -> memref<97x104xi32, #tpu.memory_space<hbm>>
      %dma_start3A_26 = arith.constant 0 : i32
      %dma_start3A_27 = arith.constant 0 : i32
      %dma_start3A_28 = tpu.memref_slice %arg4[%add3A, %dma_start3A_26, %dma_start3A_27] : memref<32x97x104xi32, #tpu.memory_space<hbm>> -> memref<1x97x104xi32, #tpu.memory_space<hbm>>
      %dma_start3A_29 = tpu.memref_squeeze %dma_start3A_28 : memref<1x97x104xi32, #tpu.memory_space<hbm>> -> memref<97x104xi32, #tpu.memory_space<hbm>>
      tpu.enqueue_dma source(%dma_start3A_29 : memref<97x104xi32, #tpu.memory_space<hbm>>) target(%arg8 : memref<97x104xi32, #tpu.memory_space<vmem>>) target_semaphore(%run_scoped3A_21 : memref<!tpu.dma_semaphore, #tpu.memory_space<semaphore_mem>>)
      %dma_wait3A_30 = arith.constant 0 : i32
      %dma_wait3A_31 = arith.constant 0 : i32
      %dma_wait3A_32 = tpu.memref_slice %arg4[%add3A, %dma_wait3A_30, %dma_wait3A_31] : memref<32x97x104xi32, #tpu.memory_space<hbm>> -> memref<1x97x104xi32, #tpu.memory_space<hbm>>
      %dma_wait3A_33 = tpu.memref_squeeze %dma_wait3A_32 : memref<1x97x104xi32, #tpu.memory_space<hbm>> -> memref<97x104xi32, #tpu.memory_space<hbm>>
      %dma_wait3A_34 = arith.constant 0 : i32
      %dma_wait3A_35 = arith.constant 0 : i32
      %dma_wait3A_36 = tpu.memref_slice %arg4[%add3A, %dma_wait3A_34, %dma_wait3A_35] : memref<32x97x104xi32, #tpu.memory_space<hbm>> -> memref<1x97x104xi32, #tpu.memory_space<hbm>>
      %dma_wait3A_37 = tpu.memref_squeeze %dma_wait3A_36 : memref<1x97x104xi32, #tpu.memory_space<hbm>> -> memref<97x104xi32, #tpu.memory_space<hbm>>
      tpu.wait_dma2 semaphore(%run_scoped3A_21 : memref<!tpu.dma_semaphore, #tpu.memory_space<semaphore_mem>>) src(%dma_wait3A_37 : memref<97x104xi32, #tpu.memory_space<hbm>>) dst(%arg8 : memref<97x104xi32, #tpu.memory_space<vmem>>)
      tpu.yield
    }) : () -> ()
    %barrier3A = arith.constant 0 : index
    tpu.barrier barrier_id(%barrier3A)
    %dma_start3A = arith.constant 0 : i32
    %dma_start3A_3 = tpu.memref_slice %arg7[%dma_start3A] : memref<10088xi32, #tpu.memory_space<vmem>> -> memref<104xi32, #tpu.memory_space<vmem>>
    %dma_start3A_4 = arith.constant 0 : i32
    %dma_start3A_5 = arith.constant 0 : i32
    %dma_start3A_6 = tpu.memref_slice %arg2[%dma_start3A_4, %dma_start3A_5] : memref<10000x128xf32, #tpu.memory_space<hbm>> -> memref<10000x128xf32, #tpu.memory_space<hbm>>
    tpu.enqueue_indirect_dma source(%dma_start3A_6 : memref<10000x128xf32, #tpu.memory_space<hbm>>) target(%arg9 : memref<104x128xf32, #tpu.memory_space<vmem>>) offsets(%dma_start3A_3 : memref<104xi32, #tpu.memory_space<vmem>>) semaphore(%arg12 : memref<!tpu.dma_semaphore, #tpu.memory_space<semaphore_mem>>)
    %scan3A = arith.constant 0 : i32
    %scan3A_7 = arith.constant 0 : i32
    %scan3A_8 = arith.constant 48 : i32
    %scan3A_9 = arith.addi %scan3A_7, %scan3A_8 : i32
    %scan3A_10 = arith.constant 1 : i32
    scf.for %scan3A_21 = %scan3A_7 to %scan3A_9 step %scan3A_10  : i32 {
      %mul3A_22 = arith.constant 2 : i32
      %mul3A_23 = arith.muli %mul3A_22, %scan3A_21 : i32
      %add3A_24 = arith.constant 1 : i32
      %add3A_25 = arith.addi %mul3A_23, %add3A_24 : i32
      %mul3A_26 = arith.constant 104 : i32
      %mul3A_27 = arith.muli %add3A_25, %mul3A_26 : i32
      %dma_start3A_28 = tpu.memref_slice %arg7[%mul3A_27] : memref<10088xi32, #tpu.memory_space<vmem>> -> memref<104xi32, #tpu.memory_space<vmem>>
      %dma_start3A_29 = arith.constant 0 : i32
      %dma_start3A_30 = arith.constant 0 : i32
      %dma_start3A_31 = tpu.memref_slice %arg2[%dma_start3A_29, %dma_start3A_30] : memref<10000x128xf32, #tpu.memory_space<hbm>> -> memref<10000x128xf32, #tpu.memory_space<hbm>>
      tpu.enqueue_indirect_dma source(%dma_start3A_31 : memref<10000x128xf32, #tpu.memory_space<hbm>>) target(%arg10 : memref<104x128xf32, #tpu.memory_space<vmem>>) offsets(%dma_start3A_28 : memref<104xi32, #tpu.memory_space<vmem>>) semaphore(%arg13 : memref<!tpu.dma_semaphore, #tpu.memory_space<semaphore_mem>>)
      %mul3A_32 = arith.constant 2 : i32
      %mul3A_33 = arith.muli %mul3A_32, %scan3A_21 : i32
      %mul3A_34 = arith.constant 104 : i32
      %mul3A_35 = arith.muli %mul3A_33, %mul3A_34 : i32
      %dma_wait3A_36 = tpu.memref_slice %arg7[%mul3A_35] : memref<10088xi32, #tpu.memory_space<vmem>> -> memref<104xi32, #tpu.memory_space<vmem>>
      %dma_wait3A_37 = arith.constant 0 : i32
      %dma_wait3A_38 = arith.constant 0 : i32
      %dma_wait3A_39 = tpu.memref_slice %arg2[%dma_wait3A_37, %dma_wait3A_38] : memref<10000x128xf32, #tpu.memory_space<hbm>> -> memref<10000x128xf32, #tpu.memory_space<hbm>>
      tpu.wait_indirect_dma semaphore(%arg12 : memref<!tpu.dma_semaphore, #tpu.memory_space<semaphore_mem>>) src(%dma_wait3A_39 : memref<10000x128xf32, #tpu.memory_space<hbm>>) dst(%arg9 : memref<104x128xf32, #tpu.memory_space<vmem>>)
      "tpu.region"() ({
        %run_scoped3A_60 = tpu.sem_alloc : memref<!tpu.dma_semaphore, #tpu.memory_space<semaphore_mem>>
        %dma_start3A_61 = arith.constant 0 : i32
        %dma_start3A_62 = tpu.memref_slice %arg8[%mul3A_33, %dma_start3A_61] : memref<97x104xi32, #tpu.memory_space<vmem>> -> memref<1x104xi32, #tpu.memory_space<vmem>>
        %dma_start3A_63 = tpu.memref_squeeze %dma_start3A_62 : memref<1x104xi32, #tpu.memory_space<vmem>> -> memref<104xi32, #tpu.memory_space<vmem>>
        %dma_start3A_64 = arith.constant 0 : i32
        %dma_start3A_65 = arith.constant 0 : i32
        %dma_start3A_66 = tpu.memref_slice %arg11[%dma_start3A_64, %dma_start3A_65] : memref<10112x128xf32, #tpu.memory_space<vmem_shared>> -> memref<10112x128xf32, #tpu.memory_space<vmem_shared>>
        tpu.enqueue_indirect_dma source(%arg9 : memref<104x128xf32, #tpu.memory_space<vmem>>) target(%dma_start3A_66 : memref<10112x128xf32, #tpu.memory_space<vmem_shared>>) offsets(%dma_start3A_63 : memref<104xi32, #tpu.memory_space<vmem>>) semaphore(%run_scoped3A_60 : memref<!tpu.dma_semaphore, #tpu.memory_space<semaphore_mem>>) {add = true}
        %dma_wait3A_67 = arith.constant 0 : i32
        %dma_wait3A_68 = tpu.memref_slice %arg8[%mul3A_33, %dma_wait3A_67] : memref<97x104xi32, #tpu.memory_space<vmem>> -> memref<1x104xi32, #tpu.memory_space<vmem>>
        %dma_wait3A_69 = tpu.memref_squeeze %dma_wait3A_68 : memref<1x104xi32, #tpu.memory_space<vmem>> -> memref<104xi32, #tpu.memory_space<vmem>>
        %dma_wait3A_70 = arith.constant 0 : i32
        %dma_wait3A_71 = arith.constant 0 : i32
        %dma_wait3A_72 = tpu.memref_slice %arg11[%dma_wait3A_70, %dma_wait3A_71] : memref<10112x128xf32, #tpu.memory_space<vmem_shared>> -> memref<10112x128xf32, #tpu.memory_space<vmem_shared>>
        tpu.wait_indirect_dma semaphore(%run_scoped3A_60 : memref<!tpu.dma_semaphore, #tpu.memory_space<semaphore_mem>>) src(%arg9 : memref<104x128xf32, #tpu.memory_space<vmem>>) dst(%dma_wait3A_72 : memref<10112x128xf32, #tpu.memory_space<vmem_shared>>)
        tpu.yield
      }) : () -> ()
      %mul3A_40 = arith.constant 2 : i32
      %mul3A_41 = arith.muli %mul3A_40, %scan3A_21 : i32
      %add3A_42 = arith.constant 2 : i32
      %add3A_43 = arith.addi %mul3A_41, %add3A_42 : i32
      %mul3A_44 = arith.constant 104 : i32
      %mul3A_45 = arith.muli %add3A_43, %mul3A_44 : i32
      %dma_start3A_46 = tpu.memref_slice %arg7[%mul3A_45] : memref<10088xi32, #tpu.memory_space<vmem>> -> memref<104xi32, #tpu.memory_space<vmem>>
      %dma_start3A_47 = arith.constant 0 : i32
      %dma_start3A_48 = arith.constant 0 : i32
      %dma_start3A_49 = tpu.memref_slice %arg2[%dma_start3A_47, %dma_start3A_48] : memref<10000x128xf32, #tpu.memory_space<hbm>> -> memref<10000x128xf32, #tpu.memory_space<hbm>>
      tpu.enqueue_indirect_dma source(%dma_start3A_49 : memref<10000x128xf32, #tpu.memory_space<hbm>>) target(%arg9 : memref<104x128xf32, #tpu.memory_space<vmem>>) offsets(%dma_start3A_46 : memref<104xi32, #tpu.memory_space<vmem>>) semaphore(%arg12 : memref<!tpu.dma_semaphore, #tpu.memory_space<semaphore_mem>>)
      %mul3A_50 = arith.constant 2 : i32
      %mul3A_51 = arith.muli %mul3A_50, %scan3A_21 : i32
      %add3A_52 = arith.constant 1 : i32
      %add3A_53 = arith.addi %mul3A_51, %add3A_52 : i32
      %mul3A_54 = arith.constant 104 : i32
      %mul3A_55 = arith.muli %add3A_53, %mul3A_54 : i32
      %dma_wait3A_56 = tpu.memref_slice %arg7[%mul3A_55] : memref<10088xi32, #tpu.memory_space<vmem>> -> memref<104xi32, #tpu.memory_space<vmem>>
      %dma_wait3A_57 = arith.constant 0 : i32
      %dma_wait3A_58 = arith.constant 0 : i32
      %dma_wait3A_59 = tpu.memref_slice %arg2[%dma_wait3A_57, %dma_wait3A_58] : memref<10000x128xf32, #tpu.memory_space<hbm>> -> memref<10000x128xf32, #tpu.memory_space<hbm>>
      tpu.wait_indirect_dma semaphore(%arg13 : memref<!tpu.dma_semaphore, #tpu.memory_space<semaphore_mem>>) src(%dma_wait3A_59 : memref<10000x128xf32, #tpu.memory_space<hbm>>) dst(%arg10 : memref<104x128xf32, #tpu.memory_space<vmem>>)
      "tpu.region"() ({
        %run_scoped3A_60 = tpu.sem_alloc : memref<!tpu.dma_semaphore, #tpu.memory_space<semaphore_mem>>
        %dma_start3A_61 = arith.constant 0 : i32
        %dma_start3A_62 = tpu.memref_slice %arg8[%add3A_53, %dma_start3A_61] : memref<97x104xi32, #tpu.memory_space<vmem>> -> memref<1x104xi32, #tpu.memory_space<vmem>>
        %dma_start3A_63 = tpu.memref_squeeze %dma_start3A_62 : memref<1x104xi32, #tpu.memory_space<vmem>> -> memref<104xi32, #tpu.memory_space<vmem>>
        %dma_start3A_64 = arith.constant 0 : i32
        %dma_start3A_65 = arith.constant 0 : i32
        %dma_start3A_66 = tpu.memref_slice %arg11[%dma_start3A_64, %dma_start3A_65] : memref<10112x128xf32, #tpu.memory_space<vmem_shared>> -> memref<10112x128xf32, #tpu.memory_space<vmem_shared>>
        tpu.enqueue_indirect_dma source(%arg10 : memref<104x128xf32, #tpu.memory_space<vmem>>) target(%dma_start3A_66 : memref<10112x128xf32, #tpu.memory_space<vmem_shared>>) offsets(%dma_start3A_63 : memref<104xi32, #tpu.memory_space<vmem>>) semaphore(%run_scoped3A_60 : memref<!tpu.dma_semaphore, #tpu.memory_space<semaphore_mem>>) {add = true}
        %dma_wait3A_67 = arith.constant 0 : i32
        %dma_wait3A_68 = tpu.memref_slice %arg8[%add3A_53, %dma_wait3A_67] : memref<97x104xi32, #tpu.memory_space<vmem>> -> memref<1x104xi32, #tpu.memory_space<vmem>>
        %dma_wait3A_69 = tpu.memref_squeeze %dma_wait3A_68 : memref<1x104xi32, #tpu.memory_space<vmem>> -> memref<104xi32, #tpu.memory_space<vmem>>
        %dma_wait3A_70 = arith.constant 0 : i32
        %dma_wait3A_71 = arith.constant 0 : i32
        %dma_wait3A_72 = tpu.memref_slice %arg11[%dma_wait3A_70, %dma_wait3A_71] : memref<10112x128xf32, #tpu.memory_space<vmem_shared>> -> memref<10112x128xf32, #tpu.memory_space<vmem_shared>>
        tpu.wait_indirect_dma semaphore(%run_scoped3A_60 : memref<!tpu.dma_semaphore, #tpu.memory_space<semaphore_mem>>) src(%arg10 : memref<104x128xf32, #tpu.memory_space<vmem>>) dst(%dma_wait3A_72 : memref<10112x128xf32, #tpu.memory_space<vmem_shared>>)
        tpu.yield
      }) : () -> ()
    }
    %scan3A_11 = arith.constant 48 : i32
    %dma_wait3A = arith.constant 9984 : i32
    %dma_wait3A_12 = tpu.memref_slice %arg7[%dma_wait3A] : memref<10088xi32, #tpu.memory_space<vmem>> -> memref<104xi32, #tpu.memory_space<vmem>>
    %dma_wait3A_13 = arith.constant 0 : i32
    %dma_wait3A_14 = arith.constant 0 : i32
    %dma_wait3A_15 = tpu.memref_slice %arg2[%dma_wait3A_13, %dma_wait3A_14] : memref<10000x128xf32, #tpu.memory_space<hbm>> -> memref<10000x128xf32, #tpu.memory_space<hbm>>
    tpu.wait_indirect_dma semaphore(%arg12 : memref<!tpu.dma_semaphore, #tpu.memory_space<semaphore_mem>>) src(%dma_wait3A_15 : memref<10000x128xf32, #tpu.memory_space<hbm>>) dst(%arg9 : memref<104x128xf32, #tpu.memory_space<vmem>>)
    %run_scoped3A = arith.constant 96 : i32
    "tpu.region"() ({
      %run_scoped3A_21 = tpu.sem_alloc : memref<!tpu.dma_semaphore, #tpu.memory_space<semaphore_mem>>
      %dma_start3A_22 = arith.constant 0 : i32
      %dma_start3A_23 = tpu.memref_slice %arg8[%run_scoped3A, %dma_start3A_22] : memref<97x104xi32, #tpu.memory_space<vmem>> -> memref<1x104xi32, #tpu.memory_space<vmem>>
      %dma_start3A_24 = tpu.memref_squeeze %dma_start3A_23 : memref<1x104xi32, #tpu.memory_space<vmem>> -> memref<104xi32, #tpu.memory_space<vmem>>
      %dma_start3A_25 = arith.constant 0 : i32
      %dma_start3A_26 = arith.constant 0 : i32
      %dma_start3A_27 = tpu.memref_slice %arg11[%dma_start3A_25, %dma_start3A_26] : memref<10112x128xf32, #tpu.memory_space<vmem_shared>> -> memref<10112x128xf32, #tpu.memory_space<vmem_shared>>
      tpu.enqueue_indirect_dma source(%arg9 : memref<104x128xf32, #tpu.memory_space<vmem>>) target(%dma_start3A_27 : memref<10112x128xf32, #tpu.memory_space<vmem_shared>>) offsets(%dma_start3A_24 : memref<104xi32, #tpu.memory_space<vmem>>) semaphore(%run_scoped3A_21 : memref<!tpu.dma_semaphore, #tpu.memory_space<semaphore_mem>>) {add = true}
      %dma_wait3A_28 = arith.constant 0 : i32
      %dma_wait3A_29 = tpu.memref_slice %arg8[%run_scoped3A, %dma_wait3A_28] : memref<97x104xi32, #tpu.memory_space<vmem>> -> memref<1x104xi32, #tpu.memory_space<vmem>>
      %dma_wait3A_30 = tpu.memref_squeeze %dma_wait3A_29 : memref<1x104xi32, #tpu.memory_space<vmem>> -> memref<104xi32, #tpu.memory_space<vmem>>
      %dma_wait3A_31 = arith.constant 0 : i32
      %dma_wait3A_32 = arith.constant 0 : i32
      %dma_wait3A_33 = tpu.memref_slice %arg11[%dma_wait3A_31, %dma_wait3A_32] : memref<10112x128xf32, #tpu.memory_space<vmem_shared>> -> memref<10112x128xf32, #tpu.memory_space<vmem_shared>>
      tpu.wait_indirect_dma semaphore(%run_scoped3A_21 : memref<!tpu.dma_semaphore, #tpu.memory_space<semaphore_mem>>) src(%arg9 : memref<104x128xf32, #tpu.memory_space<vmem>>) dst(%dma_wait3A_33 : memref<10112x128xf32, #tpu.memory_space<vmem_shared>>)
      tpu.yield
    }) : () -> ()
    %barrier3A_16 = arith.constant 0 : index
    tpu.barrier barrier_id(%barrier3A_16)
    %mul3A_17 = arith.constant 632 : i32
    %mul3A_18 = arith.muli %arg1, %mul3A_17 : i32
    %mul3A_19 = arith.constant 632 : i32
    %mul3A_20 = arith.muli %arg1, %mul3A_19 : i32
    "tpu.region"() ({
      %run_scoped3A_21 = tpu.sem_alloc : memref<!tpu.dma_semaphore, #tpu.memory_space<semaphore_mem>>
      %dma_start3A_22 = arith.constant 0 : i32
      %dma_start3A_23 = tpu.memref_slice %arg6[%arg0, %mul3A_20, %dma_start3A_22] : memref<2x10112x128xf32, #tpu.memory_space<hbm>> -> memref<1x632x128xf32, #tpu.memory_space<hbm>>
      %dma_start3A_24 = tpu.memref_squeeze %dma_start3A_23 : memref<1x632x128xf32, #tpu.memory_space<hbm>> -> memref<632x128xf32, #tpu.memory_space<hbm>>
      %dma_start3A_25 = arith.constant 0 : i32
      %dma_start3A_26 = tpu.memref_slice %arg11[%mul3A_18, %dma_start3A_25] : memref<10112x128xf32, #tpu.memory_space<vmem_shared>> -> memref<632x128xf32, #tpu.memory_space<vmem_shared>>
      tpu.enqueue_dma source(%dma_start3A_26 : memref<632x128xf32, #tpu.memory_space<vmem_shared>>) target(%dma_start3A_24 : memref<632x128xf32, #tpu.memory_space<hbm>>) target_semaphore(%run_scoped3A_21 : memref<!tpu.dma_semaphore, #tpu.memory_space<semaphore_mem>>)
      %dma_wait3A_27 = arith.constant 0 : i32
      %dma_wait3A_28 = tpu.memref_slice %arg6[%arg0, %mul3A_20, %dma_wait3A_27] : memref<2x10112x128xf32, #tpu.memory_space<hbm>> -> memref<1x632x128xf32, #tpu.memory_space<hbm>>
      %dma_wait3A_29 = tpu.memref_squeeze %dma_wait3A_28 : memref<1x632x128xf32, #tpu.memory_space<hbm>> -> memref<632x128xf32, #tpu.memory_space<hbm>>
      %dma_wait3A_30 = arith.constant 0 : i32
      %dma_wait3A_31 = tpu.memref_slice %arg11[%mul3A_18, %dma_wait3A_30] : memref<10112x128xf32, #tpu.memory_space<vmem_shared>> -> memref<632x128xf32, #tpu.memory_space<vmem_shared>>
      tpu.wait_dma2 semaphore(%run_scoped3A_21 : memref<!tpu.dma_semaphore, #tpu.memory_space<semaphore_mem>>) src(%dma_wait3A_31 : memref<632x128xf32, #tpu.memory_space<vmem_shared>>) dst(%dma_wait3A_29 : memref<632x128xf32, #tpu.memory_space<hbm>>)
      tpu.yield
    }) : () -> ()
    return
  }
}

module attributes {stable_mosaic.version = 14 : i64} {
  func.func @_tc_pre_body(%arg0: i32, %arg1: memref<2000x128xf32, #tpu.memory_space<vmem>>, %arg2: memref<128x128xf32, #tpu.memory_space<vmem>>, %arg3: memref<128x128xf32, #tpu.memory_space<vmem>>, %arg4: memref<1x128xf32, #tpu.memory_space<vmem>>, %arg5: memref<2000x128xf32, #tpu.memory_space<vmem>>, %arg6: memref<2000x128xf32, #tpu.memory_space<vmem>>) attributes {dimension_semantics = [#tpu.dimension_semantics<arbitrary>], iteration_bounds = array<i64: 5>, scalar_prefetch = 0 : i64, scratch_operands = 0 : i64, tpu.core_type = #tpu.core_type<tc>, window_params = [{transform_indices = @transform_0, window_bounds = array<i64: 2000, 128>}, {pipeline_mode = #tpu.pipeline_mode<synchronous>, transform_indices = @transform_1, window_bounds = array<i64: 128, 128>}, {pipeline_mode = #tpu.pipeline_mode<synchronous>, transform_indices = @transform_2, window_bounds = array<i64: 128, 128>}, {pipeline_mode = #tpu.pipeline_mode<synchronous>, transform_indices = @transform_3, window_bounds = array<i64: 1, 128>}, {transform_indices = @transform_4, window_bounds = array<i64: 2000, 128>}, {transform_indices = @transform_5, window_bounds = array<i64: 2000, 128>}]} {
    %get3A = arith.constant 0 : index
    %get3A_0 = arith.constant 0 : index
    %get3A_1 = vector.load %arg1[%get3A, %get3A_0] : memref<2000x128xf32, #tpu.memory_space<vmem>>, vector<2000x128xf32>
    %get3A_2 = arith.constant 0 : index
    %get3A_3 = arith.constant 0 : index
    %get3A_4 = vector.load %arg2[%get3A_2, %get3A_3] : memref<128x128xf32, #tpu.memory_space<vmem>>, vector<128x128xf32>
    %dot_general3A = arith.constant dense<0.000000e+00> : vector<2000x128xf32>
    %dot_general3A_5 = tpu.matmul %get3A_1, %get3A_4, %dot_general3A {dimension_numbers = #tpu.dot_dimension_numbers<[1], [0], [0], [1], [0, 0, 1, 1], [], []>, transpose_lhs_hint = false} : vector<2000x128xf32>, vector<128x128xf32>, vector<2000x128xf32> -> vector<2000x128xf32>
    %swap3A = arith.constant 0 : index
    %swap3A_6 = arith.constant 0 : index
    %swap3A_7 = vector.load %arg5[%swap3A, %swap3A_6] : memref<2000x128xf32, #tpu.memory_space<vmem>>, vector<2000x128xf32>
    tpu.vector_store %arg5[%swap3A, %swap3A_6], %dot_general3A_5 {strides = array<i32>} : memref<2000x128xf32, #tpu.memory_space<vmem>>, vector<2000x128xf32>,
    %get3A_8 = arith.constant 0 : index
    %get3A_9 = arith.constant 0 : index
    %get3A_10 = vector.load %arg3[%get3A_8, %get3A_9] : memref<128x128xf32, #tpu.memory_space<vmem>>, vector<128x128xf32>
    %dot_general3A_11 = arith.constant dense<0.000000e+00> : vector<2000x128xf32>
    %dot_general3A_12 = tpu.matmul %get3A_1, %get3A_10, %dot_general3A_11 {dimension_numbers = #tpu.dot_dimension_numbers<[1], [0], [0], [1], [0, 0, 1, 1], [], []>, transpose_lhs_hint = false} : vector<2000x128xf32>, vector<128x128xf32>, vector<2000x128xf32> -> vector<2000x128xf32>
    %get3A_13 = arith.constant 0 : index
    %get3A_14 = arith.constant 0 : index
    %get3A_15 = vector.load %arg4[%get3A_13, %get3A_14] : memref<1x128xf32, #tpu.memory_space<vmem>>, vector<1x128xf32>
    %add3A = vector.broadcast %get3A_15 : vector<1x128xf32> to vector<2000x128xf32>
    %add3A_16 = arith.addf %dot_general3A_12, %add3A : vector<2000x128xf32>
    %swap3A_17 = arith.constant 0 : index
    %swap3A_18 = arith.constant 0 : index
    %swap3A_19 = vector.load %arg6[%swap3A_17, %swap3A_18] : memref<2000x128xf32, #tpu.memory_space<vmem>>, vector<2000x128xf32>
    tpu.vector_store %arg6[%swap3A_17, %swap3A_18], %add3A_16 {strides = array<i32>} : memref<2000x128xf32, #tpu.memory_space<vmem>>, vector<2000x128xf32>,
    return
  }
  func.func @transform_0(%arg0: i32) -> (i32, i32) {
    %c0_i32 = arith.constant 0 : i32
    %c0_i32_0 = arith.constant 0 : i32
    return %arg0, %c0_i32 : i32, i32
  }
  func.func @transform_1(%arg0: i32) -> (i32, i32) {
    %c0_i32 = arith.constant 0 : i32
    %c0_i32_0 = arith.constant 0 : i32
    %c0_i32_1 = arith.constant 0 : i32
    return %c0_i32, %c0_i32_0 : i32, i32
  }
  func.func @transform_2(%arg0: i32) -> (i32, i32) {
    %c0_i32 = arith.constant 0 : i32
    %c0_i32_0 = arith.constant 0 : i32
    %c0_i32_1 = arith.constant 0 : i32
    return %c0_i32, %c0_i32_0 : i32, i32
  }
  func.func @transform_3(%arg0: i32) -> (i32, i32) {
    %c0_i32 = arith.constant 0 : i32
    %c0_i32_0 = arith.constant 0 : i32
    %c0_i32_1 = arith.constant 0 : i32
    return %c0_i32, %c0_i32_0 : i32, i32
  }
  func.func @transform_4(%arg0: i32) -> (i32, i32) {
    %c0_i32 = arith.constant 0 : i32
    %c0_i32_0 = arith.constant 0 : i32
    return %arg0, %c0_i32 : i32, i32
  }
  func.func @transform_5(%arg0: i32) -> (i32, i32) {
    %c0_i32 = arith.constant 0 : i32
    %c0_i32_0 = arith.constant 0 : i32
    return %arg0, %c0_i32 : i32, i32
  }
}

module attributes {stable_mosaic.version = 14 : i64} {
  func.func @_tc_mid_body(%arg0: i32, %arg1: memref<2x2000x128xf32, #tpu.memory_space<vmem>>, %arg2: memref<2x2000x8xf32, #tpu.memory_space<vmem>>, %arg3: memref<2000x128xf32, #tpu.memory_space<vmem>>, %arg4: memref<128x128xf32, #tpu.memory_space<vmem>>, %arg5: memref<128x128xf32, #tpu.memory_space<vmem>>, %arg6: memref<1x128xf32, #tpu.memory_space<vmem>>, %arg7: memref<2000x128xf32, #tpu.memory_space<vmem>>, %arg8: memref<2000x128xf32, #tpu.memory_space<vmem>>) attributes {dimension_semantics = [#tpu.dimension_semantics<arbitrary>], iteration_bounds = array<i64: 5>, scalar_prefetch = 0 : i64, scratch_operands = 0 : i64, tpu.core_type = #tpu.core_type<tc>, window_params = [{transform_indices = @transform_0, window_bounds = array<i64: 2, 2000, 128>}, {transform_indices = @transform_1, window_bounds = array<i64: 2, 2000, 8>}, {transform_indices = @transform_2, window_bounds = array<i64: 2000, 128>}, {pipeline_mode = #tpu.pipeline_mode<synchronous>, transform_indices = @transform_3, window_bounds = array<i64: 128, 128>}, {pipeline_mode = #tpu.pipeline_mode<synchronous>, transform_indices = @transform_4, window_bounds = array<i64: 128, 128>}, {pipeline_mode = #tpu.pipeline_mode<synchronous>, transform_indices = @transform_5, window_bounds = array<i64: 1, 128>}, {transform_indices = @transform_6, window_bounds = array<i64: 2000, 128>}, {transform_indices = @transform_7, window_bounds = array<i64: 2000, 128>}]} {
    %get3A = arith.constant 0 : index
    %get3A_0 = arith.constant 0 : index
    %get3A_1 = arith.constant 0 : index
    %get3A_2 = vector.load %arg2[%get3A, %get3A_0, %get3A_1] : memref<2x2000x8xf32, #tpu.memory_space<vmem>>, vector<1x2000x1xf32>
    %get3A_3 = vector.shape_cast %get3A_2 : vector<1x2000x1xf32> to vector<2000x1xf32>
    %get3A_4 = arith.constant 1 : index
    %get3A_5 = arith.constant 0 : index
    %get3A_6 = arith.constant 0 : index
    %get3A_7 = vector.load %arg2[%get3A_4, %get3A_5, %get3A_6] : memref<2x2000x8xf32, #tpu.memory_space<vmem>>, vector<1x2000x1xf32>
    %get3A_8 = vector.shape_cast %get3A_7 : vector<1x2000x1xf32> to vector<2000x1xf32>
    %add3A = arith.addf %get3A_3, %get3A_8 : vector<2000x1xf32>
    %get3A_9 = arith.constant 0 : index
    %get3A_10 = arith.constant 0 : index
    %get3A_11 = arith.constant 0 : index
    %get3A_12 = vector.load %arg1[%get3A_9, %get3A_10, %get3A_11] : memref<2x2000x128xf32, #tpu.memory_space<vmem>>, vector<1x2000x128xf32>
    %get3A_13 = vector.shape_cast %get3A_12 : vector<1x2000x128xf32> to vector<2000x128xf32>
    %get3A_14 = arith.constant 1 : index
    %get3A_15 = arith.constant 0 : index
    %get3A_16 = arith.constant 0 : index
    %get3A_17 = vector.load %arg1[%get3A_14, %get3A_15, %get3A_16] : memref<2x2000x128xf32, #tpu.memory_space<vmem>>, vector<1x2000x128xf32>
    %get3A_18 = vector.shape_cast %get3A_17 : vector<1x2000x128xf32> to vector<2000x128xf32>
    %add3A_19 = arith.addf %get3A_13, %get3A_18 : vector<2000x128xf32>
    %max3A = arith.constant 1.000000e+00 : f32
    %max3A_20 = vector.broadcast %max3A : f32 to vector<2000x1xf32>
    %max3A_21 = arith.maximumf %add3A, %max3A_20 : vector<2000x1xf32>
    %div3A = vector.broadcast %max3A_21 : vector<2000x1xf32> to vector<2000x128xf32>
    %div3A_22 = arith.divf %add3A_19, %div3A : vector<2000x128xf32>
    %get3A_23 = arith.constant 0 : index
    %get3A_24 = arith.constant 0 : index
    %get3A_25 = vector.load %arg3[%get3A_23, %get3A_24] : memref<2000x128xf32, #tpu.memory_space<vmem>>, vector<2000x128xf32>
    %add3A_26 = arith.addf %div3A_22, %get3A_25 : vector<2000x128xf32>
    %max3A_27 = arith.constant 0.000000e+00 : f32
    %max3A_28 = vector.broadcast %max3A_27 : f32 to vector<2000x128xf32>
    %max3A_29 = arith.maximumf %add3A_26, %max3A_28 : vector<2000x128xf32>
    %get3A_30 = arith.constant 0 : index
    %get3A_31 = arith.constant 0 : index
    %get3A_32 = vector.load %arg4[%get3A_30, %get3A_31] : memref<128x128xf32, #tpu.memory_space<vmem>>, vector<128x128xf32>
    %dot_general3A = arith.constant dense<0.000000e+00> : vector<2000x128xf32>
    %dot_general3A_33 = tpu.matmul %max3A_29, %get3A_32, %dot_general3A {dimension_numbers = #tpu.dot_dimension_numbers<[1], [0], [0], [1], [0, 0, 1, 1], [], []>, transpose_lhs_hint = false} : vector<2000x128xf32>, vector<128x128xf32>, vector<2000x128xf32> -> vector<2000x128xf32>
    %swap3A = arith.constant 0 : index
    %swap3A_34 = arith.constant 0 : index
    %swap3A_35 = vector.load %arg7[%swap3A, %swap3A_34] : memref<2000x128xf32, #tpu.memory_space<vmem>>, vector<2000x128xf32>
    tpu.vector_store %arg7[%swap3A, %swap3A_34], %dot_general3A_33 {strides = array<i32>} : memref<2000x128xf32, #tpu.memory_space<vmem>>, vector<2000x128xf32>,
    %get3A_36 = arith.constant 0 : index
    %get3A_37 = arith.constant 0 : index
    %get3A_38 = vector.load %arg5[%get3A_36, %get3A_37] : memref<128x128xf32, #tpu.memory_space<vmem>>, vector<128x128xf32>
    %dot_general3A_39 = arith.constant dense<0.000000e+00> : vector<2000x128xf32>
    %dot_general3A_40 = tpu.matmul %max3A_29, %get3A_38, %dot_general3A_39 {dimension_numbers = #tpu.dot_dimension_numbers<[1], [0], [0], [1], [0, 0, 1, 1], [], []>, transpose_lhs_hint = false} : vector<2000x128xf32>, vector<128x128xf32>, vector<2000x128xf32> -> vector<2000x128xf32>
    %get3A_41 = arith.constant 0 : index
    %get3A_42 = arith.constant 0 : index
    %get3A_43 = vector.load %arg6[%get3A_41, %get3A_42] : memref<1x128xf32, #tpu.memory_space<vmem>>, vector<1x128xf32>
    %add3A_44 = vector.broadcast %get3A_43 : vector<1x128xf32> to vector<2000x128xf32>
    %add3A_45 = arith.addf %dot_general3A_40, %add3A_44 : vector<2000x128xf32>
    %swap3A_46 = arith.constant 0 : index
    %swap3A_47 = arith.constant 0 : index
    %swap3A_48 = vector.load %arg8[%swap3A_46, %swap3A_47] : memref<2000x128xf32, #tpu.memory_space<vmem>>, vector<2000x128xf32>
    tpu.vector_store %arg8[%swap3A_46, %swap3A_47], %add3A_45 {strides = array<i32>} : memref<2000x128xf32, #tpu.memory_space<vmem>>, vector<2000x128xf32>,
    return
  }
  func.func @transform_0(%arg0: i32) -> (i32, i32, i32) {
    %c0_i32 = arith.constant 0 : i32
    %c0_i32_0 = arith.constant 0 : i32
    %c0_i32_1 = arith.constant 0 : i32
    return %c0_i32, %arg0, %c0_i32_0 : i32, i32, i32
  }
  func.func @transform_1(%arg0: i32) -> (i32, i32, i32) {
    %c0_i32 = arith.constant 0 : i32
    %c0_i32_0 = arith.constant 0 : i32
    %c0_i32_1 = arith.constant 0 : i32
    return %c0_i32, %arg0, %c0_i32_0 : i32, i32, i32
  }
  func.func @transform_2(%arg0: i32) -> (i32, i32) {
    %c0_i32 = arith.constant 0 : i32
    %c0_i32_0 = arith.constant 0 : i32
    return %arg0, %c0_i32 : i32, i32
  }
  func.func @transform_3(%arg0: i32) -> (i32, i32) {
    %c0_i32 = arith.constant 0 : i32
    %c0_i32_0 = arith.constant 0 : i32
    %c0_i32_1 = arith.constant 0 : i32
    return %c0_i32, %c0_i32_0 : i32, i32
  }
  func.func @transform_4(%arg0: i32) -> (i32, i32) {
    %c0_i32 = arith.constant 0 : i32
    %c0_i32_0 = arith.constant 0 : i32
    %c0_i32_1 = arith.constant 0 : i32
    return %c0_i32, %c0_i32_0 : i32, i32
  }
  func.func @transform_5(%arg0: i32) -> (i32, i32) {
    %c0_i32 = arith.constant 0 : i32
    %c0_i32_0 = arith.constant 0 : i32
    %c0_i32_1 = arith.constant 0 : i32
    return %c0_i32, %c0_i32_0 : i32, i32
  }
  func.func @transform_6(%arg0: i32) -> (i32, i32) {
    %c0_i32 = arith.constant 0 : i32
    %c0_i32_0 = arith.constant 0 : i32
    return %arg0, %c0_i32 : i32, i32
  }
  func.func @transform_7(%arg0: i32) -> (i32, i32) {
    %c0_i32 = arith.constant 0 : i32
    %c0_i32_0 = arith.constant 0 : i32
    return %arg0, %c0_i32 : i32, i32
  }
}

module attributes {stable_mosaic.version = 14 : i64} {
  func.func @_tc_post_body(%arg0: i32, %arg1: memref<2x2000x128xf32, #tpu.memory_space<vmem>>, %arg2: memref<2x2000x8xf32, #tpu.memory_space<vmem>>, %arg3: memref<2000x128xf32, #tpu.memory_space<vmem>>, %arg4: memref<2000x128xf32, #tpu.memory_space<vmem>>) attributes {dimension_semantics = [#tpu.dimension_semantics<arbitrary>], iteration_bounds = array<i64: 5>, scalar_prefetch = 0 : i64, scratch_operands = 0 : i64, tpu.core_type = #tpu.core_type<tc>, window_params = [{transform_indices = @transform_0, window_bounds = array<i64: 2, 2000, 128>}, {transform_indices = @transform_1, window_bounds = array<i64: 2, 2000, 8>}, {transform_indices = @transform_2, window_bounds = array<i64: 2000, 128>}, {transform_indices = @transform_3, window_bounds = array<i64: 2000, 128>}]} {
    %get3A = arith.constant 0 : index
    %get3A_0 = arith.constant 0 : index
    %get3A_1 = arith.constant 0 : index
    %get3A_2 = vector.load %arg2[%get3A, %get3A_0, %get3A_1] : memref<2x2000x8xf32, #tpu.memory_space<vmem>>, vector<1x2000x1xf32>
    %get3A_3 = vector.shape_cast %get3A_2 : vector<1x2000x1xf32> to vector<2000x1xf32>
    %get3A_4 = arith.constant 1 : index
    %get3A_5 = arith.constant 0 : index
    %get3A_6 = arith.constant 0 : index
    %get3A_7 = vector.load %arg2[%get3A_4, %get3A_5, %get3A_6] : memref<2x2000x8xf32, #tpu.memory_space<vmem>>, vector<1x2000x1xf32>
    %get3A_8 = vector.shape_cast %get3A_7 : vector<1x2000x1xf32> to vector<2000x1xf32>
    %add3A = arith.addf %get3A_3, %get3A_8 : vector<2000x1xf32>
    %get3A_9 = arith.constant 0 : index
    %get3A_10 = arith.constant 0 : index
    %get3A_11 = arith.constant 0 : index
    %get3A_12 = vector.load %arg1[%get3A_9, %get3A_10, %get3A_11] : memref<2x2000x128xf32, #tpu.memory_space<vmem>>, vector<1x2000x128xf32>
    %get3A_13 = vector.shape_cast %get3A_12 : vector<1x2000x128xf32> to vector<2000x128xf32>
    %get3A_14 = arith.constant 1 : index
    %get3A_15 = arith.constant 0 : index
    %get3A_16 = arith.constant 0 : index
    %get3A_17 = vector.load %arg1[%get3A_14, %get3A_15, %get3A_16] : memref<2x2000x128xf32, #tpu.memory_space<vmem>>, vector<1x2000x128xf32>
    %get3A_18 = vector.shape_cast %get3A_17 : vector<1x2000x128xf32> to vector<2000x128xf32>
    %add3A_19 = arith.addf %get3A_13, %get3A_18 : vector<2000x128xf32>
    %max3A = arith.constant 1.000000e+00 : f32
    %max3A_20 = vector.broadcast %max3A : f32 to vector<2000x1xf32>
    %max3A_21 = arith.maximumf %add3A, %max3A_20 : vector<2000x1xf32>
    %div3A = vector.broadcast %max3A_21 : vector<2000x1xf32> to vector<2000x128xf32>
    %div3A_22 = arith.divf %add3A_19, %div3A : vector<2000x128xf32>
    %get3A_23 = arith.constant 0 : index
    %get3A_24 = arith.constant 0 : index
    %get3A_25 = vector.load %arg3[%get3A_23, %get3A_24] : memref<2000x128xf32, #tpu.memory_space<vmem>>, vector<2000x128xf32>
    %add3A_26 = arith.addf %div3A_22, %get3A_25 : vector<2000x128xf32>
    %swap3A = arith.constant 0 : index
    %swap3A_27 = arith.constant 0 : index
    %swap3A_28 = vector.load %arg4[%swap3A, %swap3A_27] : memref<2000x128xf32, #tpu.memory_space<vmem>>, vector<2000x128xf32>
    tpu.vector_store %arg4[%swap3A, %swap3A_27], %add3A_26 {strides = array<i32>} : memref<2000x128xf32, #tpu.memory_space<vmem>>, vector<2000x128xf32>,
    return
  }
  func.func @transform_0(%arg0: i32) -> (i32, i32, i32) {
    %c0_i32 = arith.constant 0 : i32
    %c0_i32_0 = arith.constant 0 : i32
    %c0_i32_1 = arith.constant 0 : i32
    return %c0_i32, %arg0, %c0_i32_0 : i32, i32, i32
  }
  func.func @transform_1(%arg0: i32) -> (i32, i32, i32) {
    %c0_i32 = arith.constant 0 : i32
    %c0_i32_0 = arith.constant 0 : i32
    %c0_i32_1 = arith.constant 0 : i32
    return %c0_i32, %arg0, %c0_i32_0 : i32, i32, i32
  }
  func.func @transform_2(%arg0: i32) -> (i32, i32) {
    %c0_i32 = arith.constant 0 : i32
    %c0_i32_0 = arith.constant 0 : i32
    return %arg0, %c0_i32 : i32, i32
  }
  func.func @transform_3(%arg0: i32) -> (i32, i32) {
    %c0_i32 = arith.constant 0 : i32
    %c0_i32_0 = arith.constant 0 : i32
    return %arg0, %c0_i32 : i32, i32
  }
}

</mosaic_0001>

<sc_bundles>
// kernel: kernel.11.cloned.1.call-start
scs
__scs_entry_jumppad:
0x0: {  	(pc) =	sbr.rel $0x88, $3  }
0x1: {  	(tag) =	ssettag $0x0;
	lr =	simm.s32 $0x1  }
0x2: {  	[smem:$0x3F99] =	sst lr;
	_ =	strace $0xD0000000  }
0x3: {  	_ = 	snop  }
0x4: {  	_ = 	snop  }
0x5: {  	_ = 	snop  }
0x6: {  	_ = 	snop  }
0x7: {  	_ = 	snop  }
__scs_overlays_trampoline_lowered:
0x8: {  	[smem:$0x3FA8] =	sst s0  }
0x9: {  	[smem:$0x3FA9] =	sst s1  }
0xa: {  	[smem:$0x3FAA] =	sst s2  }
0xb: {  	[smem:$0x3FAB] =	sst s3  }
0xc: {  	[smem:$0x3FAC] =	sst s4  }
0xd: {  	[smem:$0x3FAD] =	sst s5  }
0xe: {  	[smem:$0x3FAE] =	sst s6  }
0xf: {  	[smem:$0x3FAF] =	sst s7  }
0x10: {  	[smem:$0x3FB0] =	sst s8  }
0x11: {  	[smem:$0x3FB1] =	sst s9;
	s0 =	simm.s32 @!p0 $0x0  }
0x12: {  	s1 =	sld [smem:$0x3F97];
	s0 =	simm.s32 @p0 $0x1  }
0x13: {  	[smem:$0x3FB2] =	sst s0;
	s0 =	simm.s32 @!p1 $0x0  }
0x14: {  	s2 =	sld [smem:$0x3F96];
	s0 =	simm.s32 @p1 $0x1  }
0x15: {  	[smem:$0x3FB3] =	sst s0;
	s0 =	simm.s32 @!p2 $0x0  }
0x16: {  	s3 =	sld [smem:$0x3FDB];
	s0 =	simm.s32 @p2 $0x1  }
0x17: {  	s4 =	simm.s32 $0x1BF5;
	[smem:$0x3FB5] =	sst s0  }
0x18: {  	s0 =	sld [smem:$0x3F98];
	_ =	swait.ge [sflag:s4], $0x0  }
0x19: {  	s7 =	sld [smem:$0x3F99]  }
0x1a: {  	s8 =	sadd.s32 $0xFFFFE003, lr  }
0x1b: {  	s9 =	sadd.s32 $0xFFFFFEF7, lr;
	s5 =	simm.s32 $0xFFFFFFFF;
	p2 =	slt.u32 s8, $0xFFFFF086  }
0x1c: {  	p1 =	slt.u32 s9, $0xF7A;
	s5 =	simm.s32 @!p2 $0x0  }
0x1d: {  	s5 =	simm.s32 @p1 $0x1;
	p0 =	seq.s32 s7, s2  }
0x1e: {  	s7 =	smul.u32 @!p0 $0xF7A, s2;
	p2 =	seq.s32 @!p0 s5, $0x0  }
0x1f: {  	s9 =	smul.u32 $0xF7A, s1;
	s8 =	simm.s32 @!p0 $0x1BF5;
	p2 =	por !p2, p0  }
0x20: {  	[sflag:s8] =	ssyncset.s32 @!p0 $0xFFFFF086;
	s6 =	sadd.s32 @!p0 s3, s7;
	s7 =	simm.s32 @!p0 $0x108  }
0x21: {  	s3 =	sadd.s32 s3, s9;
	s6 =	sadd.s32 @!p0 $0x88, s6;
	s7 =	simm.s32 @p2 $0x1082  }
0x22: {  	[simem:s7], [sflag:s8] =	dma.local @!p0 [hbm:s6], $0xF7A  }
0x23: {  	s9 =	sor.u32 $0xD0000000, s2;
	s6 =	simm.s32 $0x108;
	_ =	swait.ge @!p0 [sflag:s8], $0x0  }
0x24: {  	s3 =	sadd.s32 $0x88, s3;
	s6 =	simm.s32 @!p1 $0x1082;
	[sflag:s4] =	ssyncset.s32 $0xFFFFF086  }
0x25: {  	[simem:s6], [sflag:s4] =	dma.local [hbm:s3], $0xF7A  }
0x26: {  	[smem:$0x3F99] =	sst s1;
	(tag) =	ssettag s2;
	_ =	strace s9  }
0x27: {  	s1 =	sld [smem:$0x3FA9]  }
0x28: {  	s2 =	sld [smem:$0x3FAA]  }
0x29: {  	s4 =	sld [smem:$0x3FAC]  }
0x2a: {  	p0 =	seq.s32 s5, $0x0;
	s5 =	sld [smem:$0x3FAD]  }
0x2b: {  	s6 =	sld [smem:$0x3FAE]  }
0x2c: {  	s7 =	sld [smem:$0x3FAF]  }
0x2d: {  	s3 =	simm.s32 $0x108;
	s8 =	sld [smem:$0x3FB0]  }
0x2e: {  	s3 =	simm.s32 @!p0 $0x1082;
	s9 =	sld [smem:$0x3FB1]  }
0x2f: {  	lr =	sadd.s32 s0, s3;
	s0 =	sld [smem:$0x3FA8]  }
0x30: {  	s3 =	sld [smem:$0x3FAB]  }
0x31: {  	[smem:$0x3FB4] =	sst s10  }
0x32: {  	s10 =	sld [smem:$0x3FB2];
	_ =	sdelay $0x3  }
0x33: {  	p0 =	seq.s32 s10, $0x1;
	s10 =	sld [smem:$0x3FB4];
	_ =	sdelay $0x3  }
0x34: {  	[smem:$0x3FB4] =	sst s10  }
0x35: {  	s10 =	sld [smem:$0x3FB3];
	_ =	sdelay $0x3  }
0x36: {  	p1 =	seq.s32 s10, $0x1;
	s10 =	sld [smem:$0x3FB4];
	_ =	sdelay $0x3  }
0x37: {  	[smem:$0x3FB4] =	sst s10  }
0x38: {  	s10 =	sld [smem:$0x3FB5]  }
0x39: {  	_ = 	snop;
	(pc) =	sbr.ind lr, $3  }
0x3a: {  	_ = 	snop  }
0x3b: {  	_ = 	snop  }
0x3c: {  	p2 =	seq.s32 s10, $0x1;
	s10 =	sld [smem:$0x3FB4]  }
0x3d: {  	_ =	shalt  }
0x3e: {  	_ =	shalt  }
0x3f: {  	_ =	shalt  }
0x40: {  	_ =	shalt  }
0x41: {  	_ =	shalt  }
0x42: {  	_ =	shalt  }
0x43: {  	_ =	shalt  }
0x44: {  	_ =	shalt  }
0x45: {  	_ =	shalt  }
0x46: {  	_ =	shalt  }
0x47: {  	_ =	shalt  }
0x48: {  	_ =	shalt  }
0x49: {  	_ =	shalt  }
0x4a: {  	_ =	shalt  }
0x4b: {  	_ =	shalt  }
0x4c: {  	_ =	shalt  }
0x4d: {  	_ =	shalt  }
0x4e: {  	_ =	shalt  }
0x4f: {  	_ =	shalt  }
0x50: {  	_ =	shalt  }
0x51: {  	_ =	shalt  }
0x52: {  	_ =	shalt  }
0x53: {  	_ =	shalt  }
0x54: {  	_ =	shalt  }
0x55: {  	_ =	shalt  }
0x56: {  	_ =	shalt  }
0x57: {  	_ =	shalt  }
0x58: {  	_ =	shalt  }
0x59: {  	_ =	shalt  }
0x5a: {  	_ =	shalt  }
0x5b: {  	_ =	shalt  }
0x5c: {  	_ =	shalt  }
0x5d: {  	_ =	shalt  }
0x5e: {  	_ =	shalt  }
0x5f: {  	_ =	shalt  }
0x60: {  	_ =	shalt  }
0x61: {  	_ =	shalt  }
0x62: {  	_ =	shalt  }
0x63: {  	_ =	shalt  }
0x64: {  	_ =	shalt  }
0x65: {  	_ =	shalt  }
0x66: {  	_ =	shalt  }
0x67: {  	_ =	shalt  }
0x68: {  	_ =	shalt  }
0x69: {  	_ =	shalt  }
0x6a: {  	_ =	shalt  }
0x6b: {  	_ =	shalt  }
0x6c: {  	_ =	shalt  }
0x6d: {  	_ =	shalt  }
0x6e: {  	_ =	shalt  }
0x6f: {  	_ =	shalt  }
0x70: {  	_ =	shalt  }
0x71: {  	_ =	shalt  }
0x72: {  	_ =	shalt  }
0x73: {  	_ =	shalt  }
0x74: {  	_ =	shalt  }
0x75: {  	_ =	shalt  }
0x76: {  	_ =	shalt  }
0x77: {  	_ =	shalt  }
0x78: {  	_ =	shalt  }
0x79: {  	_ =	shalt  }
0x7a: {  	_ =	shalt  }
0x7b: {  	_ =	shalt  }
0x7c: {  	_ =	shalt  }
0x7d: {  	_ =	shalt  }
0x7e: {  	_ =	shalt  }
0x7f: {  	_ =	shalt  }
0x80: {  	_ =	shalt  }
0x81: {  	_ =	shalt  }
0x82: {  	_ =	shalt  }
0x83: {  	_ =	shalt  }
0x84: {  	_ =	shalt  }
0x85: {  	_ =	shalt  }
0x86: {  	_ =	shalt  }
0x87: {  	_ =	shalt  }
.Lfunc_end0:
.L_simem_size_0:
called_computation.1_lowered:
.L_overlay_start_0:
0x88: {  	s2 =	sld [smem:$0x3FD9]  }
0x89: {  	s3 =	sld [smem:$0x3FFE];
	_ =	sdelay $0x1  }
0x8a: {  	s1 =	srdreg.scid  }
0x8b: {  	s0 =	sand.u32 $0x1, s1  }
0x8c: {  	s17 =	sshll.u32 s0, $0xA;
	s2 =	sadd.s32 s3, s2  }
0x8d: {  	s2 =	sadd.s32 s2, s17  }
0x8e: {  	[smem:$0x3FC0] =	sst s2  }
0x8f: {  	_ = 	snop  }
0x90: {  	s18 =	sld [smem:$0x3FD0];
	(tm) =	ssettm $0x1  }
0x91: {  	s19 =	sld [smem:$0x3FFB];
	_ =	sdelay $0x3  }
0x92: {  	_ =	strace s19  }
0x93: {  	s2 =	sld [smem:$0x3FFC];
	_ =	sdelay $0x3  }
0x94: {  	_ =	strace s2  }
0x95: {  	s2 =	sld [smem:$0x3FFD];
	_ =	sdelay $0x3  }
0x96: {  	_ =	strace s2  }
0x97: {  	_ =	strace $0x8FFFFFFF  }
0x98: {  	s20 =	sld [smem:$0x3FDB];
	_ =	sdelay $0x1  }
0x99: {  	s4 =	simm.s32 $_scs_section_size  }
0x9a: {  	s5 =	simm.s32 $_size__tile_overlayer_lowered;
	s6 =	simm.s32 $_tile_overlayer_lowered  }
0x9b: {  	s7 =	simm.s32 $0x1BFF;
	s21 =	sshll.u32 s6, $0x1;
	s4 =	sadd.s32 s4, s20  }
0x9c: {  	s22 =	simm.s32 $0x0;
	s5 =	sshll.u32 s5, $0x1;
	s6 =	sadd.s32 s21, s4  }
0x9d: {  	[timem:s22], [sflag:s7] =	dma.local [hbm:s6], s5  }
0x9e: {  	_ =	swait.ge [sflag:s7], s5  }
0x9f: {  	s5 =	ssub.s32 $0x0, s5;
	[sflag:s7] =	ssyncset.done $0x0  }
0xa0: {  	[sflag:s7] =	ssyncadd.s32 s5;
	_ =	sdelay $0x1  }
0xa1: {  	s23 =	simm.s32 $0x1B8B  }
0xa2: {  	_ =	swait.ge [sflag:s23], $0x1  }
0xa3: {  	[sflag:s23] =	ssyncset.done $0x0  }
0xa4: {  	[sflag:s23] =	ssyncadd.s32 $0xFFFFFFFF  }
0xa5: {  	s5 =	sld [smem:$0x0]  }
0xa6: {  	s6 =	sand.u32 $0xFFFFFFFE, s1  }
0xa7: {  	p0 =	sne.s32 s1, s6  }
0xa8: {  	s6 =	sshll.u32 @p0 s6, $0xE  }
0xa9: {  	s6 =	sadd.s32 @p0 $0x11B8D, s6;
	s7 =	sshll.u32 @p0 s5, $0x11  }
0xaa: {  	s6 =	sor.u32 @p0 s7, s6  }
0xab: {  	[sflag:s6] =	ssyncadd.remote.s32 @p0 $0x1;
	_ =	sdelay $0x1  }
0xac: {  	s6 =	simm.s32 @p0 $0x1B8D  }
0xad: {  	_ =	swait.eq @p0 [sflag:s6], $0x1  }
0xae: {  	[sflag:s6] =	ssyncadd.s32 @p0 $0xFFFFFFFF  }
0xaf: {  	s7 =	sshll.u32 @!p0 s1, $0xE  }
0xb0: {  	s7 =	sor.u32 @!p0 $0x4000, s7;
	s6 =	simm.s32 @!p0 $0x1B8D  }
0xb1: {  	s5 =	sshll.u32 @!p0 s5, $0x11;
	s7 =	sadd.s32 @!p0 $0x11B8D, s7;
	_ =	swait.eq @!p0 [sflag:s6], $0x1  }
0xb2: {  	s5 =	sor.u32 @!p0 s5, s7;
	[sflag:s6] =	ssyncadd.s32 @!p0 $0xFFFFFFFF  }
0xb3: {  	s25 =	simm.s32 $0x1B8E;
	s24 =	sld [smem:$0x3FFE];
	[sflag:s5] =	ssyncadd.remote.s32 @!p0 $0x1  }
0xb4: {  	s26 =	simm.s32 $execute0_lowered;
	[smem:$0x3FD2] =	sst s25  }
0xb5: {  	s6 =	sshll.u32 s26, $0x1;
	_ =	strace $0x80000049;
	[dreg:$0x1] =	wrdreg $0xFFFFFFFF  }
0xb6: {  	s28 =	simm.s32 $_size_execute0_lowered;
	s4 =	sadd.s32 s4, s6;
	[dreg:$0x0] =	wrdreg $0x0  }
0xb7: {  	s6 =	sshll.u32 s28, $0x1;
	[dreg:$0x2] =	wrdreg s4  }
0xb8: {  	[dreg:$0x3] =	wrdreg s6  }
0xb9: {  	[dreg:$0x4] =	wrdreg $0xC0  }
0xba: {  	_ =	task [dreg:s22], $0x5FFFF  }
0xbb: {  	[dreg:$0x1] =	wrdreg $0xFFFFFFFF  }
0xbc: {  	[dreg:$0x0] =	wrdreg $0x60  }
0xbd: {  	[dreg:$0x2] =	wrdreg s18  }
0xbe: {  	[dreg:$0x3] =	wrdreg s24  }
0xbf: {  	[dreg:$0x4] =	wrdreg $0xC3800  }
0xc0: {  	[dreg:$0x5] =	wrdreg $0xA  }
0xc1: {  	_ =	task.clear_ibuf [dreg:s22], $0x6FFFF;
	_ =	strace $0x90000049  }
0xc2: {  	s29 =	simm.s32 $0xA;
	_ =	strace $0x8000004B  }
0xc3: {  	_ =	swait.ge [sflag:s29], $0x1  }
0xc4: {  	[sflag:s29] =	ssyncadd.s32 $0xFFFFFFFF  }
0xc5: {  	_ =	strace $0x9000004B  }
0xc6: {  	_ =	sfence  }
0xc7: {  	s30 =	sld [smem:$0x0];
	_ =	sdelay $0x2  }
0xc8: {  	s31 =	sshll.u32 s1, $0xD;
	s1 =	sshrl.u32 s1, $0x2  }
0xc9: {  	s4 =	sand.u32 $0x4000, s31;
	s1 =	sadd.s32 s1, s30  }
0xca: {  	s0 =	sor.u32 s4, s0;
	s1 =	sshll.u32 s1, $0x11  }
0xcb: {  	s0 =	sor.u32 s1, s0  }
0xcc: {  	s0 =	sadd.s32 $0x8F2B, s0  }
0xcd: {  	[sflag:s0] =	ssyncadd.remote.s32 $0x1  }
0xce: {  	_ =	sfence.sel $0xFFFF  }
0xcf: {  	[dreg:$0x0] =	wrdreg $0xFFFFFFFF;
	(pc) =	sbr.abs _section_cstart, $3  }
0xd0: {  	[dreg:$0x1] =	wrdreg $0xFFFFFFFF  }
0xd1: {  	_ =	task.clear_ibuf [dreg:s22], $0x2FFFF;
	_ =	strace $0x9FFFFFFF  }
0xd2: {  	(tm) =	ssettm $0x7FFFFFFF  }
0xd3: {  	_ =	shalt  }
tec
execute0_lowered:
.L_overlay_start_1:
0x0: {  	(tag) =	ssettag $0x1  }
0x1: {  	s2 =	rddreg [dreg:$0x0]  }
0x2: {  	s0 =	srdreg.scid;
	s6 =	rddreg [dreg:$0x1]  }
0x3: {  	s3 =	rddreg [dreg:$0x2];
	s13 =	simm.s32 $0x80;
	s14 =	simm.s32 $0x400  }
0x4: {  	s15 =	simm.s32 $0x2780;
	s16 =	simm.s32 $0x68;
	s17 =	simm.s32 $0x5B80  }
0x5: {  	s18 =	simm.s32 $0x8F80;
	s19 =	simm.s32 $0x1;
	s20 =	simm.s32 $0x2  }
0x6: {  	s21 =	simm.s32 $0x5780;
	s22 =	simm.s32 $0x0;
	s5 =	sand.u32 $0x1, s0  }
0x7: {  	s0 =	stileid.u32;
	s1 =	sshll.u32 s5, $0x4;
	s10 =	smul.u32 $0x13C000, s5  }
0x8: {  	s8 =	sshll.u32 s0, $0x7;
	s26 =	smul.u32 $0x13C00, s0;
	s28 =	ssub.s32 $0x2, s5  }
0x9: {  	s11 =	smul.u32 $0x4F000, s0;
	s5 =	sadd.s32 $0x28600, s6;
	s31 =	sshll.u32 s0, $0x6  }
0xa: {  	s4 =	sor.u32 s0, s1;
	s8 =	sand.u32 $0x380, s8;
	s29 =	sshrl.u32 s28, $0x1  }
0xb: {  	s1 =	sshrl.u32 s4, $0x3;
	s9 =	smul.u32 $0x680, s4;
	s4 =	simm.s32 $0x0  }
0xc: {  	s30 =	sshrl.u32 s11, $0x2;
	s7 =	smul.u32 $0x13C00, s1;
	[smem:$0x7FF] =	sst s4  }
0xd: {  	s1 =	rddreg [dreg:$0x3];
	s11 =	sadd.s32 s30, s3;
	_ =	strace $0x8000004A  }
0xe: {  	s9 =	sadd.s32 s9, s6;
	s11 =	sshrl.u32 s11, $0x3;
	s7 =	sor.u32 s8, s7  }
0xf: {  	s8 =	sadd.s32 s26, s10;
	s10 =	ssub.s32 s28, s29;
	s7 =	sshrl.u32 s7, $0x3  }
0x10: {  	s8 =	sshrl.u32 s8, $0x3;
	s10 =	smax.u32 s10, $0x1;
	s7 =	sadd.s32 s7, s6  }
0x11: {  	s12 =	sadd.s32 s8, s6;
	s6 =	sor.u32 $0x1C03, s31;
	s8 =	sadd.s32 $0x11800, s9  }
0x12: {  	s7 =	sadd.s32 $0x1E800, s7;
	s9 =	sadd.s32 $0x2AE00, s12;
	s12 =	simm.s32 $0x3  }
.LBB2_1:
0x13: {  	[spmem:s11], [sflag:s6] =	dma.local [hbm:s5], $0x2780  }
0x14: {  	_ =	swait.ge [sflag:s12], $0x2780  }
0x15: {  	[sflag:s12] =	ssyncset.done $0x0  }
0x16: {  	[sflag:s12] =	ssyncadd.s32 $0xFFFFD880  }
0x17: {  	[tilespmem:s4], [sflag:$0x3] =	stream.strided.gather [hbm4b:s7+s13], $0x2780, s14, s13, $0x38;
	[tilespmem:$0x1FF80] =	vst v63  }
0x18: {  	_ =	swait.ge [sflag:s12], $0x2780  }
0x19: {  	[sflag:s12] =	ssyncset.done $0x0  }
0x1a: {  	[sflag:s12] =	ssyncadd.s32 $0xFFFFD880  }
0x1b: {  	[tilespmem:s15], [sflag:$0x3] =	stream.linear.gather [hbm4b:s8+s4], $0x3080, $0x38;
	[tilespmem:$0x1FF80] =	vst v63  }
0x1c: {  	_ =	swait.ge [sflag:s12], $0x3080  }
0x1d: {  	[sflag:s12] =	ssyncset.done $0x0  }
0x1e: {  	[sflag:s12] =	ssyncadd.s32 $0xFFFFCF80  }
0x1f: {  	[bflag:$0x0] =	sbarrier.arrive $0xFFFF  }
0x20: {  	[tilespmem:s17], [sflag:$0x1] =	stream.indirect.gather [hbm4b:s2+s16], $0x80, s4, s16, $0xb8;
	[tilespmem:$0x1FF80] =	vst v63  }
0x21: {  	s23 =	simm.s32 $0x68  }
0x22: {  	[tilespmem:s18], [sflag:$0x2] =	stream.indirect.gather [hbm4b:s2+s16], $0x80, s23, s16, $0xb8;
	[tilespmem:$0x1FF80] =	vst v63  }
0x23: {  	_ =	swait.ge [sflag:s19], $0x3400  }
0x24: {  	[sflag:s19] =	ssyncset.done $0x0  }
0x25: {  	s29 =	simm.s32 $0x2780;
	[sflag:s19] =	ssyncadd.s32 $0xFFFFCC00  }
0x26: {  	[spmem:s3] =	stream.indirect.scatter.add.f32 [tilespmem:s17], [sflag:$0x3], $0x80, s29, s16, $0xb8;
	[tilespmem:$0x1FF80] =	vst v63  }
0x27: {  	_ =	swait.ge [sflag:s12], $0x3400  }
0x28: {  	[sflag:s12] =	ssyncset.done $0x0  }
0x29: {  	s30 =	simm.s32 $0xD0;
	[sflag:s12] =	ssyncadd.s32 $0xFFFFCC00  }
0x2a: {  	[tilespmem:s17], [sflag:$0x1] =	stream.indirect.gather [hbm4b:s2+s16], $0x80, s30, s16, $0xb8;
	[tilespmem:$0x1FF80] =	vst v63  }
0x2b: {  	_ =	swait.ge [sflag:s20], $0x3400  }
0x2c: {  	[sflag:s20] =	ssyncset.done $0x0  }
0x2d: {  	s31 =	simm.s32 $0x2800;
	[sflag:s20] =	ssyncadd.s32 $0xFFFFCC00  }
0x2e: {  	[spmem:s3] =	stream.indirect.scatter.add.f32 [tilespmem:s18], [sflag:$0x3], $0x80, s31, s16, $0xb8;
	[tilespmem:$0x1FF80] =	vst v63  }
0x2f: {  	s24 =	simm.s32 $0x400;
	_ =	swait.ge [sflag:s12], $0x3400  }
0x30: {  	s25 =	simm.s32 $0x800;
	s23 =	simm.s32 $0x1A0;
	[sflag:s12] =	ssyncset.done $0x0  }
.LBB2_2:
0x31: {  	p0 =	sne.s32 s25, $0xBC00;
	s26 =	sadd.s32 $0xFFFFFF98, s23;
	[sflag:s12] =	ssyncadd.s32 $0xFFFFCC00  }
0x32: {  	[tilespmem:s18], [sflag:$0x2] =	stream.indirect.gather [hbm4b:s2+s16], $0x80, s26, s16, $0xb8;
	[tilespmem:$0x1FF80] =	vst v63  }
0x33: {  	s26 =	smov.u32 s25;
	s25 =	sadd.s32 $0x400, s25;
	_ =	swait.ge [sflag:s19], $0x3400  }
0x34: {  	s28 =	sshra.s32 s24, $0x2;
	s24 =	smov.u32 s26;
	[sflag:s19] =	ssyncset.done $0x0  }
0x35: {  	s26 =	sadd.s32 $0x2780, s28;
	[sflag:s19] =	ssyncadd.s32 $0xFFFFCC00  }
0x36: {  	[spmem:s3] =	stream.indirect.scatter.add.f32 [tilespmem:s17], [sflag:$0x3], $0x80, s26, s16, $0xb8;
	[tilespmem:$0x1FF80] =	vst v63  }
0x37: {  	_ =	swait.ge [sflag:s12], $0x3400  }
0x38: {  	[sflag:s12] =	ssyncset.done $0x0  }
0x39: {  	[sflag:s12] =	ssyncadd.s32 $0xFFFFCC00  }
0x3a: {  	[tilespmem:s17], [sflag:$0x1] =	stream.indirect.gather [hbm4b:s2+s16], $0x80, s23, s16, $0xb8;
	[tilespmem:$0x1FF80] =	vst v63  }
0x3b: {  	_ =	swait.ge [sflag:s20], $0x3400  }
.Ltmp0:
0x3c: {  	[sflag:s20] =	ssyncset.done $0x0;
	(pc) =	sbr.rel @p0 .LBB2_2-.Ltmp0, $4  }
0x3d: {  	s26 =	sadd.s32 $0x2800, s28;
	[sflag:s20] =	ssyncadd.s32 $0xFFFFCC00  }
0x3e: {  	[spmem:s3] =	stream.indirect.scatter.add.f32 [tilespmem:s18], [sflag:$0x3], $0x80, s26, s16, $0xb8;
	[tilespmem:$0x1FF80] =	vst v63  }
0x3f: {  	_ =	swait.ge [sflag:s12], $0x3400  }
0x40: {  	s23 =	sadd.s32 $0xD0, s23;
	[sflag:s12] =	ssyncset.done $0x0  }
0x41: {  	s25 =	sadd.s32 $0xFFFFFF98, s23;
	[sflag:s12] =	ssyncadd.s32 $0xFFFFCC00  }
0x42: {  	[tilespmem:s18], [sflag:$0x2] =	stream.indirect.gather [hbm4b:s2+s16], $0x80, s25, s16, $0xb8;
	[tilespmem:$0x1FF80] =	vst v63  }
0x43: {  	_ =	swait.ge [sflag:s19], $0x3400  }
0x44: {  	s24 =	sshra.s32 s24, $0x2;
	[sflag:s19] =	ssyncset.done $0x0  }
0x45: {  	s30 =	sadd.s32 $0x2780, s24;
	[sflag:s19] =	ssyncadd.s32 $0xFFFFCC00  }
0x46: {  	[spmem:s3] =	stream.indirect.scatter.add.f32 [tilespmem:s17], [sflag:$0x3], $0x80, s30, s16, $0xb8;
	[tilespmem:$0x1FF80] =	vst v63  }
0x47: {  	_ =	swait.ge [sflag:s12], $0x3400  }
0x48: {  	[sflag:s12] =	ssyncset.done $0x0  }
0x49: {  	[sflag:s12] =	ssyncadd.s32 $0xFFFFCC00  }
0x4a: {  	[tilespmem:s17], [sflag:$0x1] =	stream.indirect.gather [hbm4b:s2+s16], $0x80, s23, s16, $0xb8;
	[tilespmem:$0x1FF80] =	vst v63  }
0x4b: {  	_ =	swait.ge [sflag:s20], $0x3400  }
0x4c: {  	[sflag:s20] =	ssyncset.done $0x0  }
0x4d: {  	s31 =	sadd.s32 $0x2800, s24;
	[sflag:s20] =	ssyncadd.s32 $0xFFFFCC00  }
0x4e: {  	[spmem:s3] =	stream.indirect.scatter.add.f32 [tilespmem:s18], [sflag:$0x3], $0x80, s31, s16, $0xb8;
	[tilespmem:$0x1FF80] =	vst v63  }
0x4f: {  	_ =	swait.ge [sflag:s12], $0x3400  }
0x50: {  	[sflag:s12] =	ssyncset.done $0x0  }
0x51: {  	[sflag:s12] =	ssyncadd.s32 $0xFFFFCC00  }
0x52: {  	_ =	swait.ge [sflag:s19], $0x3400  }
0x53: {  	[sflag:s19] =	ssyncset.done $0x0  }
0x54: {  	[sflag:s19] =	ssyncadd.s32 $0xFFFFCC00  }
0x55: {  	[spmem:s3] =	stream.indirect.scatter.add.f32 [tilespmem:s17], [sflag:$0x3], $0x80, s21, s16, $0xb8;
	[tilespmem:$0x1FF80] =	vst v63  }
0x56: {  	_ =	swait.ge [sflag:s12], $0x3400  }
0x57: {  	s22 =	sadd.s32 $0x1, s22;
	[sflag:s12] =	ssyncset.done $0x0  }
0x58: {  	p0 =	sne.s32 s22, s10;
	[sflag:s12] =	ssyncadd.s32 $0xFFFFCC00  }
.Ltmp1:
0x59: {  	[bflag:$0x0] =	sbarrier.arrive $0xFFFF;
	(pc) =	sbr.rel @p0 .LBB2_1-.Ltmp1, $4  }
0x5a: {  	[hbm:s9], [sflag:s6] =	dma.local [spmem:s11], $0x2780  }
0x5b: {  	_ =	swait.ge [sflag:s12], $0x2780  }
0x5c: {  	[sflag:s12] =	ssyncset.done $0x0  }
0x5d: {  	[sflag:s12] =	ssyncadd.s32 $0xFFFFD880  }
0x5e: {  	_ =	sfence.sel $0x180000  }
0x5f: {  	[bflag:$0x0] =	sbarrier.arrive $0xFFFF  }
0x60: {  	p0 =	sne.s32 s0, $0x0;
	_ =	strace $0x9000004A  }
0x61: {  	s0 =	sadd.s32 @!p0 $0x100000, s1;
	[bflag:$0x2] =	sbarrier.arrive $0xFFFF  }
0x62: {  	[sflag:s0] =	ssyncadd.tile.s32 @!p0 $0x1;
	_ =	shalt  }
.Lfunc_end2:
_tile_overlayer_lowered:
.L_overlay_start_2:
0x63: {  	(tag) =	ssettag $0x2  }
0x64: {  	s0 =	rddreg [dreg:$0x0];
	s2 =	stileid.u32  }
0x65: {  	s1 =	rddreg [dreg:$0x1];
	p0 =	sne.s32 s2, $0x0  }
0x66: {  	s3 =	rddreg [dreg:$0x2];
	[bflag:$0x3] =	sbarrier.arrive $0xFFFF;
	s2 =	simm.s32 @!p0 $0x1C03  }
0x67: {  	[timem:s3], [sflag:s2] =	dma.local @!p0 [hbm:s0], s1  }
0x68: {  	s0 =	simm.s32 @!p0 $0x3  }
0x69: {  	_ =	swait.ge @!p0 [sflag:s0], s1  }
0x6a: {  	s1 =	ssub.s32 @!p0 $0x0, s1;
	[sflag:s0] =	ssyncset.done @!p0 $0x0  }
0x6b: {  	[sflag:s0] =	ssyncadd.s32 @!p0 s1  }
0x6c: {  	[bflag:$0x3] =	sbarrier.arrive $0xFFFF  }
0x6d: {  	_ =	shalt  }

// kernel: kernel.14.cloned.1.call-start
scs
__scs_entry_jumppad:
0x0: {  	(pc) =	sbr.rel $0x88, $3  }
0x1: {  	(tag) =	ssettag $0x0;
	lr =	simm.s32 $0x1  }
0x2: {  	[smem:$0x3F99] =	sst lr;
	_ =	strace $0xD0000000  }
0x3: {  	_ = 	snop  }
0x4: {  	_ = 	snop  }
0x5: {  	_ = 	snop  }
0x6: {  	_ = 	snop  }
0x7: {  	_ = 	snop  }
__scs_overlays_trampoline_lowered:
0x8: {  	[smem:$0x3FA8] =	sst s0  }
0x9: {  	[smem:$0x3FA9] =	sst s1  }
0xa: {  	[smem:$0x3FAA] =	sst s2  }
0xb: {  	[smem:$0x3FAB] =	sst s3  }
0xc: {  	[smem:$0x3FAC] =	sst s4  }
0xd: {  	[smem:$0x3FAD] =	sst s5  }
0xe: {  	[smem:$0x3FAE] =	sst s6  }
0xf: {  	[smem:$0x3FAF] =	sst s7  }
0x10: {  	[smem:$0x3FB0] =	sst s8  }
0x11: {  	[smem:$0x3FB1] =	sst s9;
	s0 =	simm.s32 @!p0 $0x0  }
0x12: {  	s1 =	sld [smem:$0x3F97];
	s0 =	simm.s32 @p0 $0x1  }
0x13: {  	[smem:$0x3FB2] =	sst s0;
	s0 =	simm.s32 @!p1 $0x0  }
0x14: {  	s2 =	sld [smem:$0x3F96];
	s0 =	simm.s32 @p1 $0x1  }
0x15: {  	[smem:$0x3FB3] =	sst s0;
	s0 =	simm.s32 @!p2 $0x0  }
0x16: {  	s3 =	sld [smem:$0x3FDB];
	s0 =	simm.s32 @p2 $0x1  }
0x17: {  	s4 =	simm.s32 $0x1BF5;
	[smem:$0x3FB5] =	sst s0  }
0x18: {  	s0 =	sld [smem:$0x3F98];
	_ =	swait.ge [sflag:s4], $0x0  }
0x19: {  	s7 =	sld [smem:$0x3F99]  }
0x1a: {  	s8 =	sadd.s32 $0xFFFFE003, lr  }
0x1b: {  	s9 =	sadd.s32 $0xFFFFFEF7, lr;
	s5 =	simm.s32 $0xFFFFFFFF;
	p2 =	slt.u32 s8, $0xFFFFF086  }
0x1c: {  	p1 =	slt.u32 s9, $0xF7A;
	s5 =	simm.s32 @!p2 $0x0  }
0x1d: {  	s5 =	simm.s32 @p1 $0x1;
	p0 =	seq.s32 s7, s2  }
0x1e: {  	s7 =	smul.u32 @!p0 $0xF7A, s2;
	p2 =	seq.s32 @!p0 s5, $0x0  }
0x1f: {  	s9 =	smul.u32 $0xF7A, s1;
	s8 =	simm.s32 @!p0 $0x1BF5;
	p2 =	por !p2, p0  }
0x20: {  	[sflag:s8] =	ssyncset.s32 @!p0 $0xFFFFF086;
	s6 =	sadd.s32 @!p0 s3, s7;
	s7 =	simm.s32 @!p0 $0x108  }
0x21: {  	s3 =	sadd.s32 s3, s9;
	s6 =	sadd.s32 @!p0 $0x88, s6;
	s7 =	simm.s32 @p2 $0x1082  }
0x22: {  	[simem:s7], [sflag:s8] =	dma.local @!p0 [hbm:s6], $0xF7A  }
0x23: {  	s9 =	sor.u32 $0xD0000000, s2;
	s6 =	simm.s32 $0x108;
	_ =	swait.ge @!p0 [sflag:s8], $0x0  }
0x24: {  	s3 =	sadd.s32 $0x88, s3;
	s6 =	simm.s32 @!p1 $0x1082;
	[sflag:s4] =	ssyncset.s32 $0xFFFFF086  }
0x25: {  	[simem:s6], [sflag:s4] =	dma.local [hbm:s3], $0xF7A  }
0x26: {  	[smem:$0x3F99] =	sst s1;
	(tag) =	ssettag s2;
	_ =	strace s9  }
0x27: {  	s1 =	sld [smem:$0x3FA9]  }
0x28: {  	s2 =	sld [smem:$0x3FAA]  }
0x29: {  	s4 =	sld [smem:$0x3FAC]  }
0x2a: {  	p0 =	seq.s32 s5, $0x0;
	s5 =	sld [smem:$0x3FAD]  }
0x2b: {  	s6 =	sld [smem:$0x3FAE]  }
0x2c: {  	s7 =	sld [smem:$0x3FAF]  }
0x2d: {  	s3 =	simm.s32 $0x108;
	s8 =	sld [smem:$0x3FB0]  }
0x2e: {  	s3 =	simm.s32 @!p0 $0x1082;
	s9 =	sld [smem:$0x3FB1]  }
0x2f: {  	lr =	sadd.s32 s0, s3;
	s0 =	sld [smem:$0x3FA8]  }
0x30: {  	s3 =	sld [smem:$0x3FAB]  }
0x31: {  	[smem:$0x3FB4] =	sst s10  }
0x32: {  	s10 =	sld [smem:$0x3FB2];
	_ =	sdelay $0x3  }
0x33: {  	p0 =	seq.s32 s10, $0x1;
	s10 =	sld [smem:$0x3FB4];
	_ =	sdelay $0x3  }
0x34: {  	[smem:$0x3FB4] =	sst s10  }
0x35: {  	s10 =	sld [smem:$0x3FB3];
	_ =	sdelay $0x3  }
0x36: {  	p1 =	seq.s32 s10, $0x1;
	s10 =	sld [smem:$0x3FB4];
	_ =	sdelay $0x3  }
0x37: {  	[smem:$0x3FB4] =	sst s10  }
0x38: {  	s10 =	sld [smem:$0x3FB5]  }
0x39: {  	_ = 	snop;
	(pc) =	sbr.ind lr, $3  }
0x3a: {  	_ = 	snop  }
0x3b: {  	_ = 	snop  }
0x3c: {  	p2 =	seq.s32 s10, $0x1;
	s10 =	sld [smem:$0x3FB4]  }
0x3d: {  	_ =	shalt  }
0x3e: {  	_ =	shalt  }
0x3f: {  	_ =	shalt  }
0x40: {  	_ =	shalt  }
0x41: {  	_ =	shalt  }
0x42: {  	_ =	shalt  }
0x43: {  	_ =	shalt  }
0x44: {  	_ =	shalt  }
0x45: {  	_ =	shalt  }
0x46: {  	_ =	shalt  }
0x47: {  	_ =	shalt  }
0x48: {  	_ =	shalt  }
0x49: {  	_ =	shalt  }
0x4a: {  	_ =	shalt  }
0x4b: {  	_ =	shalt  }
0x4c: {  	_ =	shalt  }
0x4d: {  	_ =	shalt  }
0x4e: {  	_ =	shalt  }
0x4f: {  	_ =	shalt  }
0x50: {  	_ =	shalt  }
0x51: {  	_ =	shalt  }
0x52: {  	_ =	shalt  }
0x53: {  	_ =	shalt  }
0x54: {  	_ =	shalt  }
0x55: {  	_ =	shalt  }
0x56: {  	_ =	shalt  }
0x57: {  	_ =	shalt  }
0x58: {  	_ =	shalt  }
0x59: {  	_ =	shalt  }
0x5a: {  	_ =	shalt  }
0x5b: {  	_ =	shalt  }
0x5c: {  	_ =	shalt  }
0x5d: {  	_ =	shalt  }
0x5e: {  	_ =	shalt  }
0x5f: {  	_ =	shalt  }
0x60: {  	_ =	shalt  }
0x61: {  	_ =	shalt  }
0x62: {  	_ =	shalt  }
0x63: {  	_ =	shalt  }
0x64: {  	_ =	shalt  }
0x65: {  	_ =	shalt  }
0x66: {  	_ =	shalt  }
0x67: {  	_ =	shalt  }
0x68: {  	_ =	shalt  }
0x69: {  	_ =	shalt  }
0x6a: {  	_ =	shalt  }
0x6b: {  	_ =	shalt  }
0x6c: {  	_ =	shalt  }
0x6d: {  	_ =	shalt  }
0x6e: {  	_ =	shalt  }
0x6f: {  	_ =	shalt  }
0x70: {  	_ =	shalt  }
0x71: {  	_ =	shalt  }
0x72: {  	_ =	shalt  }
0x73: {  	_ =	shalt  }
0x74: {  	_ =	shalt  }
0x75: {  	_ =	shalt  }
0x76: {  	_ =	shalt  }
0x77: {  	_ =	shalt  }
0x78: {  	_ =	shalt  }
0x79: {  	_ =	shalt  }
0x7a: {  	_ =	shalt  }
0x7b: {  	_ =	shalt  }
0x7c: {  	_ =	shalt  }
0x7d: {  	_ =	shalt  }
0x7e: {  	_ =	shalt  }
0x7f: {  	_ =	shalt  }
0x80: {  	_ =	shalt  }
0x81: {  	_ =	shalt  }
0x82: {  	_ =	shalt  }
0x83: {  	_ =	shalt  }
0x84: {  	_ =	shalt  }
0x85: {  	_ =	shalt  }
0x86: {  	_ =	shalt  }
0x87: {  	_ =	shalt  }
.Lfunc_end0:
.L_simem_size_0:
called_computation.2_lowered:
.L_overlay_start_0:
0x88: {  	s2 =	sld [smem:$0x3FD9]  }
0x89: {  	s3 =	sld [smem:$0x3FFE];
	_ =	sdelay $0x1  }
0x8a: {  	s1 =	srdreg.scid  }
0x8b: {  	s0 =	sand.u32 $0x1, s1  }
0x8c: {  	s17 =	sshll.u32 s0, $0xA;
	s2 =	sadd.s32 s3, s2  }
0x8d: {  	s2 =	sadd.s32 s2, s17  }
0x8e: {  	[smem:$0x3FC0] =	sst s2  }
0x8f: {  	_ = 	snop  }
0x90: {  	s2 =	sld [smem:$0x3FD0];
	(tm) =	ssettm $0x1  }
0x91: {  	s18 =	sld [smem:$0x3FFB];
	_ =	sdelay $0x3  }
0x92: {  	_ =	strace s18  }
0x93: {  	s3 =	sld [smem:$0x3FFC];
	_ =	sdelay $0x3  }
0x94: {  	_ =	strace s3  }
0x95: {  	s3 =	sld [smem:$0x3FFD];
	_ =	sdelay $0x3  }
0x96: {  	_ =	strace s3  }
0x97: {  	_ =	strace $0x8FFFFFFF  }
0x98: {  	s19 =	sld [smem:$0x3FDB];
	_ =	sdelay $0x1  }
0x99: {  	s4 =	simm.s32 $_scs_section_size  }
0x9a: {  	s5 =	simm.s32 $_size__tile_overlayer_lowered;
	s6 =	simm.s32 $_tile_overlayer_lowered  }
0x9b: {  	s22 =	simm.s32 $0x1BFF;
	s21 =	sshll.u32 s6, $0x1;
	s3 =	sadd.s32 s4, s19  }
0x9c: {  	s7 =	simm.s32 $0x0;
	s20 =	sshll.u32 s5, $0x1;
	s5 =	sadd.s32 s21, s3  }
0x9d: {  	[timem:s7], [sflag:s22] =	dma.local [hbm:s5], s20  }
0x9e: {  	_ =	swait.ge [sflag:s22], s20  }
0x9f: {  	s4 =	ssub.s32 $0x0, s20;
	[sflag:s22] =	ssyncset.done $0x0  }
0xa0: {  	[sflag:s22] =	ssyncadd.s32 s4;
	_ =	sdelay $0x1  }
0xa1: {  	s23 =	simm.s32 $0x1B8B  }
0xa2: {  	_ =	swait.ge [sflag:s23], $0x1  }
0xa3: {  	[sflag:s23] =	ssyncset.done $0x0  }
0xa4: {  	s25 =	simm.s32 $0x1B8E;
	s24 =	sld [smem:$0x3FFE];
	[sflag:s23] =	ssyncadd.s32 $0xFFFFFFFF  }
0xa5: {  	s26 =	simm.s32 $execute0_lowered;
	[smem:$0x3FD2] =	sst s25  }
0xa6: {  	s5 =	sshll.u32 s26, $0x1;
	_ =	strace $0x8000004C;
	[dreg:$0x1] =	wrdreg $0xFFFFFFFF  }
0xa7: {  	s28 =	simm.s32 $_size_execute0_lowered;
	s3 =	sadd.s32 s3, s5;
	[dreg:$0x0] =	wrdreg $0x0  }
0xa8: {  	s5 =	sshll.u32 s28, $0x1;
	[dreg:$0x2] =	wrdreg s3  }
0xa9: {  	[dreg:$0x3] =	wrdreg s5  }
0xaa: {  	[dreg:$0x4] =	wrdreg $0xC0  }
0xab: {  	_ =	task [dreg:s7], $0x5FFFF  }
0xac: {  	[dreg:$0x1] =	wrdreg $0xFFFFFFFF  }
0xad: {  	[dreg:$0x0] =	wrdreg $0x60  }
0xae: {  	[dreg:$0x2] =	wrdreg s2  }
0xaf: {  	[dreg:$0x3] =	wrdreg s24  }
0xb0: {  	[dreg:$0x4] =	wrdreg $0xC3800  }
0xb1: {  	[dreg:$0x5] =	wrdreg $0x9  }
0xb2: {  	_ =	task.clear_ibuf [dreg:s7], $0x6FFFF;
	_ =	strace $0x9000004C  }
0xb3: {  	s29 =	simm.s32 $0x9;
	_ =	strace $0x8000004E  }
0xb4: {  	_ =	swait.ge [sflag:s29], $0x1  }
0xb5: {  	[sflag:s29] =	ssyncadd.s32 $0xFFFFFFFF  }
0xb6: {  	_ =	strace $0x9000004E  }
0xb7: {  	_ =	sfence  }
0xb8: {  	s30 =	sld [smem:$0x0];
	_ =	sdelay $0x2  }
0xb9: {  	s31 =	sshll.u32 s1, $0xD;
	s1 =	sshrl.u32 s1, $0x2  }
0xba: {  	s3 =	sand.u32 $0x4000, s31;
	s1 =	sadd.s32 s1, s30  }
0xbb: {  	s0 =	sor.u32 s3, s0;
	s1 =	sshll.u32 s1, $0x11  }
0xbc: {  	s0 =	sor.u32 s1, s0  }
0xbd: {  	s0 =	sadd.s32 $0x8F2B, s0  }
0xbe: {  	[sflag:s0] =	ssyncadd.remote.s32 $0x1  }
0xbf: {  	_ =	sfence.sel $0xFFFF  }
0xc0: {  	[dreg:$0x0] =	wrdreg $0xFFFFFFFF;
	(pc) =	sbr.abs _section_cstart, $3  }
0xc1: {  	[dreg:$0x1] =	wrdreg $0xFFFFFFFF  }
0xc2: {  	_ =	task.clear_ibuf [dreg:s7], $0x2FFFF;
	_ =	strace $0x9FFFFFFF  }
0xc3: {  	(tm) =	ssettm $0x7FFFFFFF  }
tec
execute0_lowered:
.L_overlay_start_1:
0x0: {  	(tag) =	ssettag $0x1  }
0x1: {  	s2 =	rddreg [dreg:$0x0]  }
0x2: {  	s0 =	srdreg.scid;
	s6 =	rddreg [dreg:$0x1]  }
0x3: {  	s3 =	rddreg [dreg:$0x2];
	s13 =	simm.s32 $0x80;
	s14 =	simm.s32 $0x400  }
0x4: {  	s15 =	simm.s32 $0x2780;
	s16 =	simm.s32 $0x68;
	s17 =	simm.s32 $0x5B80  }
0x5: {  	s18 =	simm.s32 $0x8F80;
	s19 =	simm.s32 $0x1;
	s20 =	simm.s32 $0x2  }
0x6: {  	s21 =	simm.s32 $0x5780;
	s22 =	simm.s32 $0x0;
	s5 =	sand.u32 $0x1, s0  }
0x7: {  	s0 =	stileid.u32;
	s1 =	sshll.u32 s5, $0x4;
	s10 =	smul.u32 $0x13C000, s5  }
0x8: {  	s8 =	sshll.u32 s0, $0x7;
	s26 =	smul.u32 $0x13C00, s0;
	s28 =	ssub.s32 $0x2, s5  }
0x9: {  	s11 =	smul.u32 $0x4F000, s0;
	s5 =	sadd.s32 $0x28600, s6;
	s31 =	sshll.u32 s0, $0x6  }
0xa: {  	s4 =	sor.u32 s0, s1;
	s8 =	sand.u32 $0x380, s8;
	s29 =	sshrl.u32 s28, $0x1  }
0xb: {  	s1 =	sshrl.u32 s4, $0x3;
	s9 =	smul.u32 $0x680, s4;
	s4 =	simm.s32 $0x0  }
0xc: {  	s30 =	sshrl.u32 s11, $0x2;
	s7 =	smul.u32 $0x13C00, s1;
	[smem:$0x7FF] =	sst s4  }
0xd: {  	s1 =	rddreg [dreg:$0x3];
	s11 =	sadd.s32 s30, s3;
	_ =	strace $0x8000004D  }
0xe: {  	s9 =	sadd.s32 s9, s6;
	s11 =	sshrl.u32 s11, $0x3;
	s7 =	sor.u32 s8, s7  }
0xf: {  	s8 =	sadd.s32 s26, s10;
	s10 =	ssub.s32 s28, s29;
	s7 =	sshrl.u32 s7, $0x3  }
0x10: {  	s8 =	sshrl.u32 s8, $0x3;
	s10 =	smax.u32 s10, $0x1;
	s7 =	sadd.s32 s7, s6  }
0x11: {  	s12 =	sadd.s32 s8, s6;
	s6 =	sor.u32 $0x1C03, s31;
	s8 =	sadd.s32 $0x11800, s9  }
0x12: {  	s7 =	sadd.s32 $0x1E800, s7;
	s9 =	sadd.s32 $0x2AE00, s12;
	s12 =	simm.s32 $0x3  }
.LBB2_1:
0x13: {  	[spmem:s11], [sflag:s6] =	dma.local [hbm:s5], $0x2780  }
0x14: {  	_ =	swait.ge [sflag:s12], $0x2780  }
0x15: {  	[sflag:s12] =	ssyncset.done $0x0  }
0x16: {  	[sflag:s12] =	ssyncadd.s32 $0xFFFFD880  }
0x17: {  	[tilespmem:s4], [sflag:$0x3] =	stream.strided.gather [hbm4b:s7+s13], $0x2780, s14, s13, $0x38;
	[tilespmem:$0x1FF80] =	vst v63  }
0x18: {  	_ =	swait.ge [sflag:s12], $0x2780  }
0x19: {  	[sflag:s12] =	ssyncset.done $0x0  }
0x1a: {  	[sflag:s12] =	ssyncadd.s32 $0xFFFFD880  }
0x1b: {  	[tilespmem:s15], [sflag:$0x3] =	stream.linear.gather [hbm4b:s8+s4], $0x3080, $0x38;
	[tilespmem:$0x1FF80] =	vst v63  }
0x1c: {  	_ =	swait.ge [sflag:s12], $0x3080  }
0x1d: {  	[sflag:s12] =	ssyncset.done $0x0  }
0x1e: {  	[sflag:s12] =	ssyncadd.s32 $0xFFFFCF80  }
0x1f: {  	[bflag:$0x0] =	sbarrier.arrive $0xFFFF  }
0x20: {  	[tilespmem:s17], [sflag:$0x1] =	stream.indirect.gather [hbm4b:s2+s16], $0x80, s4, s16, $0xb8;
	[tilespmem:$0x1FF80] =	vst v63  }
0x21: {  	s23 =	simm.s32 $0x68  }
0x22: {  	[tilespmem:s18], [sflag:$0x2] =	stream.indirect.gather [hbm4b:s2+s16], $0x80, s23, s16, $0xb8;
	[tilespmem:$0x1FF80] =	vst v63  }
0x23: {  	_ =	swait.ge [sflag:s19], $0x3400  }
0x24: {  	[sflag:s19] =	ssyncset.done $0x0  }
0x25: {  	s29 =	simm.s32 $0x2780;
	[sflag:s19] =	ssyncadd.s32 $0xFFFFCC00  }
0x26: {  	[spmem:s3] =	stream.indirect.scatter.add.f32 [tilespmem:s17], [sflag:$0x3], $0x80, s29, s16, $0xb8;
	[tilespmem:$0x1FF80] =	vst v63  }
0x27: {  	_ =	swait.ge [sflag:s12], $0x3400  }
0x28: {  	[sflag:s12] =	ssyncset.done $0x0  }
0x29: {  	s30 =	simm.s32 $0xD0;
	[sflag:s12] =	ssyncadd.s32 $0xFFFFCC00  }
0x2a: {  	[tilespmem:s17], [sflag:$0x1] =	stream.indirect.gather [hbm4b:s2+s16], $0x80, s30, s16, $0xb8;
	[tilespmem:$0x1FF80] =	vst v63  }
0x2b: {  	_ =	swait.ge [sflag:s20], $0x3400  }
0x2c: {  	[sflag:s20] =	ssyncset.done $0x0  }
0x2d: {  	s31 =	simm.s32 $0x2800;
	[sflag:s20] =	ssyncadd.s32 $0xFFFFCC00  }
0x2e: {  	[spmem:s3] =	stream.indirect.scatter.add.f32 [tilespmem:s18], [sflag:$0x3], $0x80, s31, s16, $0xb8;
	[tilespmem:$0x1FF80] =	vst v63  }
0x2f: {  	s24 =	simm.s32 $0x400;
	_ =	swait.ge [sflag:s12], $0x3400  }
0x30: {  	s25 =	simm.s32 $0x800;
	s23 =	simm.s32 $0x1A0;
	[sflag:s12] =	ssyncset.done $0x0  }
.LBB2_2:
0x31: {  	p0 =	sne.s32 s25, $0xBC00;
	s26 =	sadd.s32 $0xFFFFFF98, s23;
	[sflag:s12] =	ssyncadd.s32 $0xFFFFCC00  }
0x32: {  	[tilespmem:s18], [sflag:$0x2] =	stream.indirect.gather [hbm4b:s2+s16], $0x80, s26, s16, $0xb8;
	[tilespmem:$0x1FF80] =	vst v63  }
0x33: {  	s26 =	smov.u32 s25;
	s25 =	sadd.s32 $0x400, s25;
	_ =	swait.ge [sflag:s19], $0x3400  }
0x34: {  	s28 =	sshra.s32 s24, $0x2;
	s24 =	smov.u32 s26;
	[sflag:s19] =	ssyncset.done $0x0  }
0x35: {  	s26 =	sadd.s32 $0x2780, s28;
	[sflag:s19] =	ssyncadd.s32 $0xFFFFCC00  }
0x36: {  	[spmem:s3] =	stream.indirect.scatter.add.f32 [tilespmem:s17], [sflag:$0x3], $0x80, s26, s16, $0xb8;
	[tilespmem:$0x1FF80] =	vst v63  }
0x37: {  	_ =	swait.ge [sflag:s12], $0x3400  }
0x38: {  	[sflag:s12] =	ssyncset.done $0x0  }
0x39: {  	[sflag:s12] =	ssyncadd.s32 $0xFFFFCC00  }
0x3a: {  	[tilespmem:s17], [sflag:$0x1] =	stream.indirect.gather [hbm4b:s2+s16], $0x80, s23, s16, $0xb8;
	[tilespmem:$0x1FF80] =	vst v63  }
0x3b: {  	_ =	swait.ge [sflag:s20], $0x3400  }
.Ltmp0:
0x3c: {  	[sflag:s20] =	ssyncset.done $0x0;
	(pc) =	sbr.rel @p0 .LBB2_2-.Ltmp0, $4  }
0x3d: {  	s26 =	sadd.s32 $0x2800, s28;
	[sflag:s20] =	ssyncadd.s32 $0xFFFFCC00  }
0x3e: {  	[spmem:s3] =	stream.indirect.scatter.add.f32 [tilespmem:s18], [sflag:$0x3], $0x80, s26, s16, $0xb8;
	[tilespmem:$0x1FF80] =	vst v63  }
0x3f: {  	_ =	swait.ge [sflag:s12], $0x3400  }
0x40: {  	s23 =	sadd.s32 $0xD0, s23;
	[sflag:s12] =	ssyncset.done $0x0  }
0x41: {  	s25 =	sadd.s32 $0xFFFFFF98, s23;
	[sflag:s12] =	ssyncadd.s32 $0xFFFFCC00  }
0x42: {  	[tilespmem:s18], [sflag:$0x2] =	stream.indirect.gather [hbm4b:s2+s16], $0x80, s25, s16, $0xb8;
	[tilespmem:$0x1FF80] =	vst v63  }
0x43: {  	_ =	swait.ge [sflag:s19], $0x3400  }
0x44: {  	s24 =	sshra.s32 s24, $0x2;
	[sflag:s19] =	ssyncset.done $0x0  }
0x45: {  	s30 =	sadd.s32 $0x2780, s24;
	[sflag:s19] =	ssyncadd.s32 $0xFFFFCC00  }
0x46: {  	[spmem:s3] =	stream.indirect.scatter.add.f32 [tilespmem:s17], [sflag:$0x3], $0x80, s30, s16, $0xb8;
	[tilespmem:$0x1FF80] =	vst v63  }
0x47: {  	_ =	swait.ge [sflag:s12], $0x3400  }
0x48: {  	[sflag:s12] =	ssyncset.done $0x0  }
0x49: {  	[sflag:s12] =	ssyncadd.s32 $0xFFFFCC00  }
0x4a: {  	[tilespmem:s17], [sflag:$0x1] =	stream.indirect.gather [hbm4b:s2+s16], $0x80, s23, s16, $0xb8;
	[tilespmem:$0x1FF80] =	vst v63  }
0x4b: {  	_ =	swait.ge [sflag:s20], $0x3400  }
0x4c: {  	[sflag:s20] =	ssyncset.done $0x0  }
0x4d: {  	s31 =	sadd.s32 $0x2800, s24;
	[sflag:s20] =	ssyncadd.s32 $0xFFFFCC00  }
0x4e: {  	[spmem:s3] =	stream.indirect.scatter.add.f32 [tilespmem:s18], [sflag:$0x3], $0x80, s31, s16, $0xb8;
	[tilespmem:$0x1FF80] =	vst v63  }
0x4f: {  	_ =	swait.ge [sflag:s12], $0x3400  }
0x50: {  	[sflag:s12] =	ssyncset.done $0x0  }
0x51: {  	[sflag:s12] =	ssyncadd.s32 $0xFFFFCC00  }
0x52: {  	_ =	swait.ge [sflag:s19], $0x3400  }
0x53: {  	[sflag:s19] =	ssyncset.done $0x0  }
0x54: {  	[sflag:s19] =	ssyncadd.s32 $0xFFFFCC00  }
0x55: {  	[spmem:s3] =	stream.indirect.scatter.add.f32 [tilespmem:s17], [sflag:$0x3], $0x80, s21, s16, $0xb8;
	[tilespmem:$0x1FF80] =	vst v63  }
0x56: {  	_ =	swait.ge [sflag:s12], $0x3400  }
0x57: {  	s22 =	sadd.s32 $0x1, s22;
	[sflag:s12] =	ssyncset.done $0x0  }
0x58: {  	p0 =	sne.s32 s22, s10;
	[sflag:s12] =	ssyncadd.s32 $0xFFFFCC00  }
.Ltmp1:
0x59: {  	[bflag:$0x0] =	sbarrier.arrive $0xFFFF;
	(pc) =	sbr.rel @p0 .LBB2_1-.Ltmp1, $4  }
0x5a: {  	[hbm:s9], [sflag:s6] =	dma.local [spmem:s11], $0x2780  }
0x5b: {  	_ =	swait.ge [sflag:s12], $0x2780  }
0x5c: {  	[sflag:s12] =	ssyncset.done $0x0  }
0x5d: {  	[sflag:s12] =	ssyncadd.s32 $0xFFFFD880  }
0x5e: {  	_ =	sfence.sel $0x180000  }
0x5f: {  	[bflag:$0x0] =	sbarrier.arrive $0xFFFF  }
0x60: {  	p0 =	sne.s32 s0, $0x0;
	_ =	strace $0x9000004D  }
0x61: {  	s0 =	sadd.s32 @!p0 $0x100000, s1;
	[bflag:$0x2] =	sbarrier.arrive $0xFFFF  }
0x62: {  	[sflag:s0] =	ssyncadd.tile.s32 @!p0 $0x1;
	_ =	shalt  }
.Lfunc_end2:
_tile_overlayer_lowered:
.L_overlay_start_2:
0x63: {  	(tag) =	ssettag $0x2  }
0x64: {  	s0 =	rddreg [dreg:$0x0];
	s2 =	stileid.u32  }
0x65: {  	s1 =	rddreg [dreg:$0x1];
	p0 =	sne.s32 s2, $0x0  }
0x66: {  	s3 =	rddreg [dreg:$0x2];
	[bflag:$0x3] =	sbarrier.arrive $0xFFFF;
	s2 =	simm.s32 @!p0 $0x1C03  }
0x67: {  	[timem:s3], [sflag:s2] =	dma.local @!p0 [hbm:s0], s1  }
0x68: {  	s0 =	simm.s32 @!p0 $0x3  }
0x69: {  	_ =	swait.ge @!p0 [sflag:s0], s1  }
0x6a: {  	s1 =	ssub.s32 @!p0 $0x0, s1;
	[sflag:s0] =	ssyncset.done @!p0 $0x0  }
0x6b: {  	[sflag:s0] =	ssyncadd.s32 @!p0 s1  }
0x6c: {  	[bflag:$0x3] =	sbarrier.arrive $0xFFFF  }
0x6d: {  	_ =	shalt  }

// kernel: kernel.8.cloned.1.call-start
scs
__scs_entry_jumppad:
0x0: {  	(pc) =	sbr.rel $0x88, $3  }
0x1: {  	(tag) =	ssettag $0x0;
	lr =	simm.s32 $0x1  }
0x2: {  	[smem:$0x3F99] =	sst lr;
	_ =	strace $0xD0000000  }
0x3: {  	_ = 	snop  }
0x4: {  	_ = 	snop  }
0x5: {  	_ = 	snop  }
0x6: {  	_ = 	snop  }
0x7: {  	_ = 	snop  }
__scs_overlays_trampoline_lowered:
0x8: {  	[smem:$0x3FA8] =	sst s0  }
0x9: {  	[smem:$0x3FA9] =	sst s1  }
0xa: {  	[smem:$0x3FAA] =	sst s2  }
0xb: {  	[smem:$0x3FAB] =	sst s3  }
0xc: {  	[smem:$0x3FAC] =	sst s4  }
0xd: {  	[smem:$0x3FAD] =	sst s5  }
0xe: {  	[smem:$0x3FAE] =	sst s6  }
0xf: {  	[smem:$0x3FAF] =	sst s7  }
0x10: {  	[smem:$0x3FB0] =	sst s8  }
0x11: {  	[smem:$0x3FB1] =	sst s9;
	s0 =	simm.s32 @!p0 $0x0  }
0x12: {  	s1 =	sld [smem:$0x3F97];
	s0 =	simm.s32 @p0 $0x1  }
0x13: {  	[smem:$0x3FB2] =	sst s0;
	s0 =	simm.s32 @!p1 $0x0  }
0x14: {  	s2 =	sld [smem:$0x3F96];
	s0 =	simm.s32 @p1 $0x1  }
0x15: {  	[smem:$0x3FB3] =	sst s0;
	s0 =	simm.s32 @!p2 $0x0  }
0x16: {  	s3 =	sld [smem:$0x3FDB];
	s0 =	simm.s32 @p2 $0x1  }
0x17: {  	s4 =	simm.s32 $0x1BF5;
	[smem:$0x3FB5] =	sst s0  }
0x18: {  	s0 =	sld [smem:$0x3F98];
	_ =	swait.ge [sflag:s4], $0x0  }
0x19: {  	s7 =	sld [smem:$0x3F99]  }
0x1a: {  	s8 =	sadd.s32 $0xFFFFE003, lr  }
0x1b: {  	s9 =	sadd.s32 $0xFFFFFEF7, lr;
	s5 =	simm.s32 $0xFFFFFFFF;
	p2 =	slt.u32 s8, $0xFFFFF086  }
0x1c: {  	p1 =	slt.u32 s9, $0xF7A;
	s5 =	simm.s32 @!p2 $0x0  }
0x1d: {  	s5 =	simm.s32 @p1 $0x1;
	p0 =	seq.s32 s7, s2  }
0x1e: {  	s7 =	smul.u32 @!p0 $0xF7A, s2;
	p2 =	seq.s32 @!p0 s5, $0x0  }
0x1f: {  	s9 =	smul.u32 $0xF7A, s1;
	s8 =	simm.s32 @!p0 $0x1BF5;
	p2 =	por !p2, p0  }
0x20: {  	[sflag:s8] =	ssyncset.s32 @!p0 $0xFFFFF086;
	s6 =	sadd.s32 @!p0 s3, s7;
	s7 =	simm.s32 @!p0 $0x108  }
0x21: {  	s3 =	sadd.s32 s3, s9;
	s6 =	sadd.s32 @!p0 $0x88, s6;
	s7 =	simm.s32 @p2 $0x1082  }
0x22: {  	[simem:s7], [sflag:s8] =	dma.local @!p0 [hbm:s6], $0xF7A  }
0x23: {  	s9 =	sor.u32 $0xD0000000, s2;
	s6 =	simm.s32 $0x108;
	_ =	swait.ge @!p0 [sflag:s8], $0x0  }
0x24: {  	s3 =	sadd.s32 $0x88, s3;
	s6 =	simm.s32 @!p1 $0x1082;
	[sflag:s4] =	ssyncset.s32 $0xFFFFF086  }
0x25: {  	[simem:s6], [sflag:s4] =	dma.local [hbm:s3], $0xF7A  }
0x26: {  	[smem:$0x3F99] =	sst s1;
	(tag) =	ssettag s2;
	_ =	strace s9  }
0x27: {  	s1 =	sld [smem:$0x3FA9]  }
0x28: {  	s2 =	sld [smem:$0x3FAA]  }
0x29: {  	s4 =	sld [smem:$0x3FAC]  }
0x2a: {  	p0 =	seq.s32 s5, $0x0;
	s5 =	sld [smem:$0x3FAD]  }
0x2b: {  	s6 =	sld [smem:$0x3FAE]  }
0x2c: {  	s7 =	sld [smem:$0x3FAF]  }
0x2d: {  	s3 =	simm.s32 $0x108;
	s8 =	sld [smem:$0x3FB0]  }
0x2e: {  	s3 =	simm.s32 @!p0 $0x1082;
	s9 =	sld [smem:$0x3FB1]  }
0x2f: {  	lr =	sadd.s32 s0, s3;
	s0 =	sld [smem:$0x3FA8]  }
0x30: {  	s3 =	sld [smem:$0x3FAB]  }
0x31: {  	[smem:$0x3FB4] =	sst s10  }
0x32: {  	s10 =	sld [smem:$0x3FB2];
	_ =	sdelay $0x3  }
0x33: {  	p0 =	seq.s32 s10, $0x1;
	s10 =	sld [smem:$0x3FB4];
	_ =	sdelay $0x3  }
0x34: {  	[smem:$0x3FB4] =	sst s10  }
0x35: {  	s10 =	sld [smem:$0x3FB3];
	_ =	sdelay $0x3  }
0x36: {  	p1 =	seq.s32 s10, $0x1;
	s10 =	sld [smem:$0x3FB4];
	_ =	sdelay $0x3  }
0x37: {  	[smem:$0x3FB4] =	sst s10  }
0x38: {  	s10 =	sld [smem:$0x3FB5]  }
0x39: {  	_ = 	snop;
	(pc) =	sbr.ind lr, $3  }
0x3a: {  	_ = 	snop  }
0x3b: {  	_ = 	snop  }
0x3c: {  	p2 =	seq.s32 s10, $0x1;
	s10 =	sld [smem:$0x3FB4]  }
0x3d: {  	_ =	shalt  }
0x3e: {  	_ =	shalt  }
0x3f: {  	_ =	shalt  }
0x40: {  	_ =	shalt  }
0x41: {  	_ =	shalt  }
0x42: {  	_ =	shalt  }
0x43: {  	_ =	shalt  }
0x44: {  	_ =	shalt  }
0x45: {  	_ =	shalt  }
0x46: {  	_ =	shalt  }
0x47: {  	_ =	shalt  }
0x48: {  	_ =	shalt  }
0x49: {  	_ =	shalt  }
0x4a: {  	_ =	shalt  }
0x4b: {  	_ =	shalt  }
0x4c: {  	_ =	shalt  }
0x4d: {  	_ =	shalt  }
0x4e: {  	_ =	shalt  }
0x4f: {  	_ =	shalt  }
0x50: {  	_ =	shalt  }
0x51: {  	_ =	shalt  }
0x52: {  	_ =	shalt  }
0x53: {  	_ =	shalt  }
0x54: {  	_ =	shalt  }
0x55: {  	_ =	shalt  }
0x56: {  	_ =	shalt  }
0x57: {  	_ =	shalt  }
0x58: {  	_ =	shalt  }
0x59: {  	_ =	shalt  }
0x5a: {  	_ =	shalt  }
0x5b: {  	_ =	shalt  }
0x5c: {  	_ =	shalt  }
0x5d: {  	_ =	shalt  }
0x5e: {  	_ =	shalt  }
0x5f: {  	_ =	shalt  }
0x60: {  	_ =	shalt  }
0x61: {  	_ =	shalt  }
0x62: {  	_ =	shalt  }
0x63: {  	_ =	shalt  }
0x64: {  	_ =	shalt  }
0x65: {  	_ =	shalt  }
0x66: {  	_ =	shalt  }
0x67: {  	_ =	shalt  }
0x68: {  	_ =	shalt  }
0x69: {  	_ =	shalt  }
0x6a: {  	_ =	shalt  }
0x6b: {  	_ =	shalt  }
0x6c: {  	_ =	shalt  }
0x6d: {  	_ =	shalt  }
0x6e: {  	_ =	shalt  }
0x6f: {  	_ =	shalt  }
0x70: {  	_ =	shalt  }
0x71: {  	_ =	shalt  }
0x72: {  	_ =	shalt  }
0x73: {  	_ =	shalt  }
0x74: {  	_ =	shalt  }
0x75: {  	_ =	shalt  }
0x76: {  	_ =	shalt  }
0x77: {  	_ =	shalt  }
0x78: {  	_ =	shalt  }
0x79: {  	_ =	shalt  }
0x7a: {  	_ =	shalt  }
0x7b: {  	_ =	shalt  }
0x7c: {  	_ =	shalt  }
0x7d: {  	_ =	shalt  }
0x7e: {  	_ =	shalt  }
0x7f: {  	_ =	shalt  }
0x80: {  	_ =	shalt  }
0x81: {  	_ =	shalt  }
0x82: {  	_ =	shalt  }
0x83: {  	_ =	shalt  }
0x84: {  	_ =	shalt  }
0x85: {  	_ =	shalt  }
0x86: {  	_ =	shalt  }
0x87: {  	_ =	shalt  }
.Lfunc_end0:
.L_simem_size_0:
called_computation_lowered:
.L_overlay_start_0:
0x88: {  	s2 =	sld [smem:$0x3FD9]  }
0x89: {  	s3 =	sld [smem:$0x3FFE];
	_ =	sdelay $0x1  }
0x8a: {  	s1 =	srdreg.scid  }
0x8b: {  	s0 =	sand.u32 $0x1, s1  }
0x8c: {  	s16 =	sshll.u32 s0, $0xA;
	s2 =	sadd.s32 s3, s2  }
0x8d: {  	s2 =	sadd.s32 s2, s16  }
0x8e: {  	[smem:$0x3FC0] =	sst s2  }
0x8f: {  	_ = 	snop  }
0x90: {  	(tm) =	ssettm $0x1  }
0x91: {  	s17 =	sld [smem:$0x3FFB];
	_ =	sdelay $0x3  }
0x92: {  	_ =	strace s17  }
0x93: {  	s2 =	sld [smem:$0x3FFC];
	_ =	sdelay $0x3  }
0x94: {  	_ =	strace s2  }
0x95: {  	s2 =	sld [smem:$0x3FFD];
	_ =	sdelay $0x3  }
0x96: {  	_ =	strace s2  }
0x97: {  	_ =	strace $0x8FFFFFFF  }
0x98: {  	s18 =	sld [smem:$0x3FDB];
	_ =	sdelay $0x1  }
0x99: {  	s19 =	simm.s32 $_scs_section_size  }
0x9a: {  	s4 =	simm.s32 $_size__tile_overlayer_lowered;
	s5 =	simm.s32 $_tile_overlayer_lowered  }
0x9b: {  	s22 =	simm.s32 $0x1BFF;
	s21 =	sshll.u32 s5, $0x1;
	s2 =	sadd.s32 s19, s18  }
0x9c: {  	s6 =	simm.s32 $0x0;
	s20 =	sshll.u32 s4, $0x1;
	s4 =	sadd.s32 s21, s2  }
0x9d: {  	[timem:s6], [sflag:s22] =	dma.local [hbm:s4], s20  }
0x9e: {  	_ =	swait.ge [sflag:s22], s20  }
0x9f: {  	s3 =	ssub.s32 $0x0, s20;
	[sflag:s22] =	ssyncset.done $0x0  }
0xa0: {  	[sflag:s22] =	ssyncadd.s32 s3;
	_ =	sdelay $0x1  }
0xa1: {  	s23 =	simm.s32 $0x1B8B  }
0xa2: {  	_ =	swait.ge [sflag:s23], $0x1  }
0xa3: {  	[sflag:s23] =	ssyncset.done $0x0  }
0xa4: {  	s25 =	simm.s32 $0x1B8E;
	s24 =	sld [smem:$0x3FFE];
	[sflag:s23] =	ssyncadd.s32 $0xFFFFFFFF  }
0xa5: {  	s26 =	simm.s32 $execute0_lowered;
	[smem:$0x3FD2] =	sst s25  }
0xa6: {  	s4 =	sshll.u32 s26, $0x1;
	_ =	strace $0x80000046;
	[dreg:$0x1] =	wrdreg $0xFFFFFFFF  }
0xa7: {  	s28 =	simm.s32 $_size_execute0_lowered;
	s2 =	sadd.s32 s2, s4;
	[dreg:$0x0] =	wrdreg $0x0  }
0xa8: {  	s4 =	sshll.u32 s28, $0x1;
	[dreg:$0x2] =	wrdreg s2  }
0xa9: {  	[dreg:$0x3] =	wrdreg s4  }
0xaa: {  	[dreg:$0x4] =	wrdreg $0xC0  }
0xab: {  	_ =	task [dreg:s6], $0x5FFFF  }
0xac: {  	[dreg:$0x1] =	wrdreg $0xFFFFFFFF  }
0xad: {  	[dreg:$0x0] =	wrdreg $0x60  }
0xae: {  	[dreg:$0x2] =	wrdreg s24  }
0xaf: {  	[dreg:$0x3] =	wrdreg $0x2D500  }
0xb0: {  	[dreg:$0x4] =	wrdreg $0x9  }
0xb1: {  	_ =	task.clear_ibuf [dreg:s6], $0x5FFFF;
	_ =	strace $0x90000046  }
0xb2: {  	s29 =	simm.s32 $0x9;
	_ =	strace $0x80000048  }
0xb3: {  	_ =	swait.ge [sflag:s29], $0x1  }
0xb4: {  	[sflag:s29] =	ssyncadd.s32 $0xFFFFFFFF  }
0xb5: {  	_ =	strace $0x90000048  }
0xb6: {  	_ =	sfence  }
0xb7: {  	s30 =	sld [smem:$0x0];
	_ =	sdelay $0x2  }
0xb8: {  	s31 =	sshll.u32 s1, $0xD;
	s1 =	sshrl.u32 s1, $0x2  }
0xb9: {  	s3 =	sand.u32 $0x4000, s31;
	s1 =	sadd.s32 s1, s30  }
0xba: {  	s0 =	sor.u32 s3, s0;
	s1 =	sshll.u32 s1, $0x11  }
0xbb: {  	s0 =	sor.u32 s1, s0  }
0xbc: {  	s0 =	sadd.s32 $0x8F2B, s0  }
0xbd: {  	[sflag:s0] =	ssyncadd.remote.s32 $0x1  }
0xbe: {  	_ =	sfence.sel $0xFFFF  }
0xbf: {  	[dreg:$0x0] =	wrdreg $0xFFFFFFFF;
	(pc) =	sbr.abs _section_cstart, $3  }
0xc0: {  	[dreg:$0x1] =	wrdreg $0xFFFFFFFF  }
0xc1: {  	_ =	task.clear_ibuf [dreg:s6], $0x2FFFF;
	_ =	strace $0x9FFFFFFF  }
0xc2: {  	(tm) =	ssettm $0x7FFFFFFF  }
0xc3: {  	_ =	shalt  }
tec
execute0_lowered:
.L_overlay_start_1:
0x0: {  	(tag) =	ssettag $0x1  }
0x1: {  	s6 =	rddreg [dreg:$0x0]  }
0x2: {  	s0 =	srdreg.scid;
	s2 =	rddreg [dreg:$0x1];
	s3 =	simm.s32 $0x0  }
0x3: {  	s12 =	simm.s32 $0x2710;
	s5 =	sand.u32 $0x1, s0;
	s0 =	stileid.u32  }
0x4: {  	s13 =	simm.s32 $0xC8;
	s14 =	simm.s32 $0x0;
	s7 =	smul.u32 $0x13C0, s0  }
0x5: {  	[smem:$0x7FF] =	sst s3;
	s1 =	sshll.u32 s5, $0x4;
	s8 =	smul.u32 $0x13C00, s5  }
0x6: {  	s10 =	ssub.s32 $0x2, s5;
	s5 =	sadd.s32 $0xC200, s6;
	s1 =	sor.u32 s0, s1  }
0x7: {  	s31 =	sshll.u32 s0, $0x6;
	s30 =	sshrl.u32 s10, $0x1;
	s4 =	smul.u32 $0x4E2, s1  }
0x8: {  	s1 =	rddreg [dreg:$0x2];
	_ =	strace $0x80000047;
	s8 =	sadd.s32 s7, s8  }
0x9: {  	s10 =	ssub.s32 s10, s30;
	s11 =	sadd.s32 s7, s2;
	s8 =	sshrl.u32 s8, $0x3  }
0xa: {  	s9 =	sadd.s32 s4, s6;
	s4 =	sadd.s32 $0xC400, s6;
	s8 =	sadd.s32 s8, s6  }
0xb: {  	s6 =	sor.u32 $0x1C01, s31;
	s7 =	sadd.s32 $0x2400, s9;
	s8 =	sadd.s32 $0xC800, s8  }
0xc: {  	s9 =	smax.u32 s10, $0x1;
	s10 =	sshrl.u32 s11, $0x3;
	s11 =	simm.s32 $0x1  }
.LBB2_1:
0xd: {  	[spmem:s10], [sflag:s6] =	dma.local [hbm:s4], $0x278  }
0xe: {  	_ =	swait.ge [sflag:s11], $0x278  }
0xf: {  	[sflag:s11] =	ssyncset.done $0x0  }
0x10: {  	[sflag:s11] =	ssyncadd.s32 $0xFFFFFD88  }
0x11: {  	[tilespmem:s12], [sflag:$0x1] =	stream.linear.gather [hbm4b:s5+s3], $0x640, $0x38;
	[tilespmem:$0x4110] =	vst v63  }
0x12: {  	_ =	swait.ge [sflag:s11], $0x640  }
0x13: {  	[sflag:s11] =	ssyncset.done $0x0  }
0x14: {  	[sflag:s11] =	ssyncadd.s32 $0xFFFFF9C0  }
0x15: {  	[tilespmem:s3], [sflag:$0x1] =	stream.linear.gather [hbm4b:s7+s3], $0x2710, $0x38;
	[tilespmem:$0x4110] =	vst v63  }
0x16: {  	_ =	swait.ge [sflag:s11], $0x2710  }
0x17: {  	[sflag:s11] =	ssyncset.done $0x0  }
0x18: {  	[sflag:s11] =	ssyncadd.s32 $0xFFFFD8F0  }
0x19: {  	s15 =	simm.s32 $0x0;
	[bflag:$0x0] =	sbarrier.arrive $0xFFFF  }
0x1a: {  	[spmem:s2] =	stream.indirect.scatter.add.f32 [tilespmem:s12], [sflag:$0x1], $0x8, s15, s13, $0xb8;
	[tilespmem:$0x4110] =	vst v63  }
0x1b: {  	_ =	swait.ge [sflag:s11], $0x640  }
0x1c: {  	s15 =	simm.s32 $0x320;
	[sflag:s11] =	ssyncset.done $0x0  }
.LBB2_2:
0x1d: {  	s16 =	sshra.s32 s15, $0x2;
	[sflag:s11] =	ssyncadd.s32 $0xFFFFF9C0;
	p0 =	sne.s32 s15, $0x9920  }
0x1e: {  	[spmem:s2] =	stream.indirect.scatter.add.f32 [tilespmem:s12], [sflag:$0x1], $0x8, s16, s13, $0xb8;
	[tilespmem:$0x4110] =	vst v63  }
.Ltmp0:
0x1f: {  	_ = 	snop;
	(pc) =	sbr.rel @p0 .LBB2_2-.Ltmp0, $4  }
0x20: {  	_ = 	snop  }
0x21: {  	s15 =	sadd.s32 $0x320, s15  }
0x22: {  	_ =	swait.ge [sflag:s11], $0x640  }
0x23: {  	[sflag:s11] =	ssyncset.done $0x0  }
0x24: {  	s14 =	sadd.s32 $0x1, s14  }
0x25: {  	[sflag:s11] =	ssyncadd.s32 $0xFFFFF9C0;
	p0 =	sne.s32 s14, s9  }
.Ltmp1:
0x26: {  	[bflag:$0x0] =	sbarrier.arrive $0xFFFF;
	(pc) =	sbr.rel @p0 .LBB2_1-.Ltmp1, $4  }
0x27: {  	[hbm:s8], [sflag:s6] =	dma.local [spmem:s10], $0x278  }
0x28: {  	_ =	swait.ge [sflag:s11], $0x278  }
0x29: {  	[sflag:s11] =	ssyncset.done $0x0  }
0x2a: {  	[sflag:s11] =	ssyncadd.s32 $0xFFFFFD88  }
0x2b: {  	_ =	sfence.sel $0x180000  }
0x2c: {  	[bflag:$0x0] =	sbarrier.arrive $0xFFFF  }
0x2d: {  	p0 =	sne.s32 s0, $0x0;
	_ =	strace $0x90000047  }
0x2e: {  	s0 =	sadd.s32 @!p0 $0x100000, s1;
	[bflag:$0x2] =	sbarrier.arrive $0xFFFF  }
0x2f: {  	[sflag:s0] =	ssyncadd.tile.s32 @!p0 $0x1;
	_ =	shalt  }
.Lfunc_end2:
_tile_overlayer_lowered:
.L_overlay_start_2:
0x30: {  	(tag) =	ssettag $0x2  }
0x31: {  	s0 =	rddreg [dreg:$0x0];
	s2 =	stileid.u32  }
0x32: {  	s1 =	rddreg [dreg:$0x1];
	p0 =	sne.s32 s2, $0x0  }
0x33: {  	s3 =	rddreg [dreg:$0x2];
	[bflag:$0x3] =	sbarrier.arrive $0xFFFF;
	s2 =	simm.s32 @!p0 $0x1C01  }
0x34: {  	[timem:s3], [sflag:s2] =	dma.local @!p0 [hbm:s0], s1  }
0x35: {  	s0 =	simm.s32 @!p0 $0x1  }
0x36: {  	_ =	swait.ge @!p0 [sflag:s0], s1  }
0x37: {  	s1 =	ssub.s32 @!p0 $0x0, s1;
	[sflag:s0] =	ssyncset.done @!p0 $0x0  }
0x38: {  	[sflag:s0] =	ssyncadd.s32 @!p0 s1  }
0x39: {  	[bflag:$0x3] =	sbarrier.arrive $0xFFFF  }
0x3a: {  	_ =	shalt  }

</sc_bundles>
